<compile_context>
chip_gen: v7x
topology: tpu7x:2x2x1
jax: 0.10.2.dev20260603
libtpu: 0.0.44.dev20260713+nightly
codegen_flags: <defaults>
</compile_context>

<pallas_src>
import jax
import jax.numpy as jnp
from jax import lax
from jax.experimental import pallas as pl
from jax.experimental.pallas import tpu as pltpu
from jax.experimental.pallas import tpu_sc as plsc

N = 10000
D = 128
E = 320000
NC, NS, L = 2, 16, 16
NW = NC * NS

NP = 10240
NPT = NP // NS
CH = 128
EPT = 10240
TPB = EPT // CH
MCH = 128
MTPB = EPT // MCH
NB = 2
EP = NW * EPT

BM = 512

_mesh = plsc.VectorSubcoreMesh(core_axis_name="c", subcore_axis_name="s")



def _deg_body(dst_hbm, deg_out, dst_tile, ones_v, zbuf, deg_acc):
    cid = lax.axis_index("c")
    sid = lax.axis_index("s")
    wid = cid * NS + sid

    def zb(i, carry):
        zbuf[pl.ds(i * L, L)] = jnp.zeros((L,), jnp.float32)
        return carry

    lax.fori_loop(0, NPT // L, zb, 0)

    def ob(i, carry):
        ones_v[pl.ds(i * L, L)] = jnp.ones((L,), jnp.float32)
        return carry

    lax.fori_loop(0, CH // L, ob, 0)

    pltpu.sync_copy(zbuf, deg_acc.at[pl.ds(sid * NPT, NPT)])
    pltpu.sync_copy(dst_hbm.at[wid], dst_tile)
    plsc.subcore_barrier()

    def ch(c, carry):
        pltpu.sync_copy(ones_v, deg_acc.at[dst_tile.at[c]], add=True)
        return carry

    lax.fori_loop(0, TPB, ch, 0)

    plsc.subcore_barrier()
    pltpu.sync_copy(deg_acc.at[pl.ds(sid * NPT, NPT)],
                    deg_out.at[cid, pl.ds(sid * NPT, NPT)])


_deg_call = pl.kernel(
    _deg_body,
    out_type=jax.ShapeDtypeStruct((NC, NP), jnp.float32),
    mesh=_mesh,
    scratch_types=[
        pltpu.VMEM((TPB, CH), jnp.int32),
        pltpu.VMEM((CH,), jnp.float32),
        pltpu.VMEM((NPT,), jnp.float32),
        pltpu.VMEM_SHARED((NP,), jnp.float32),
    ],
)


def _msg_body(hp_hbm, src_hbm, dst_hbm, zero_hbm, acc_out,
              src_tile, dst_tile, rows0, rows1, acc, g0, g1):
    cid = lax.axis_index("c")
    sid = lax.axis_index("s")
    wid = cid * NS + sid

    pltpu.sync_copy(zero_hbm.at[pl.ds(sid * NPT, NPT)],
                    acc.at[pl.ds(sid * NPT, NPT)])
    plsc.subcore_barrier()

    HB = MTPB // 2
    rows = (rows0, rows1)
    gsem = (g0, g1)

    def gfire(c, b):
        pltpu.async_copy(hp_hbm.at[src_tile.at[c]], rows[b], gsem[b])

    def gwait(b):
        pltpu.make_async_copy(hp_hbm.at[pl.ds(0, MCH)],
                              rows[b], gsem[b]).wait()

    for h in range(2):
        pltpu.sync_copy(src_hbm.at[wid, pl.ds(h * HB, HB)], src_tile)
        pltpu.sync_copy(dst_hbm.at[wid, pl.ds(h * HB, HB)], dst_tile)
        gfire(0, 0)

        def group(g, carry):
            for b in range(NB):
                c = g * NB + b
                b2 = (b + 1) % NB

                @pl.when(c + 1 < HB)
                def _():
                    gfire(c + 1, b2)

                gwait(b)
                pltpu.sync_copy(rows[b], acc.at[dst_tile.at[c]], add=True)
            return carry

        lax.fori_loop(0, HB // NB, group, 0)

    plsc.subcore_barrier()
    pltpu.sync_copy(acc.at[pl.ds(sid * NPT, NPT)],
                    acc_out.at[cid, pl.ds(sid * NPT, NPT)])


_msg_call = pl.kernel(
    _msg_body,
    out_type=jax.ShapeDtypeStruct((NC, NP, D), jnp.float32),
    mesh=_mesh,
    scratch_types=[
        pltpu.VMEM((MTPB // 2, MCH), jnp.int32),
        pltpu.VMEM((MTPB // 2, MCH), jnp.int32),
        pltpu.VMEM((MCH, D), jnp.float32),
        pltpu.VMEM((MCH, D), jnp.float32),
        pltpu.VMEM_SHARED((NP, D), jnp.float32),
    ] + [pltpu.SemaphoreType.DMA] * 2,
)



def _mm1_body(x_ref, w_ref, deg_ref, hp_ref, u_ref):
    d = deg_ref[0] + deg_ref[1] + 1.0
    uu = lax.rsqrt(d)
    u_ref[...] = uu
    h = jnp.dot(x_ref[...], w_ref[...], preferred_element_type=jnp.float32)
    hp_ref[...] = h * uu


def _mid_body(acc_ref, hp_ref, u_ref, b_ref, w_ref, out_ref):
    s = acc_ref[0] + acc_ref[1] + hp_ref[...]
    uu = u_ref[...]
    t = jnp.maximum(s * uu + b_ref[...], 0.0)
    out_ref[...] = jnp.dot(t, w_ref[...],
                           preferred_element_type=jnp.float32) * uu


def _fin_body(acc_ref, hp_ref, u_ref, b_ref, out_ref):
    s = acc_ref[0] + acc_ref[1] + hp_ref[...]
    out_ref[...] = s * u_ref[...] + b_ref[...]


_G = NP // BM

_mm1_call = pl.pallas_call(
    _mm1_body,
    grid=(_G,),
    in_specs=[
        pl.BlockSpec((BM, D), lambda i: (i, 0)),
        pl.BlockSpec((D, D), lambda i: (0, 0)),
        pl.BlockSpec((NC, BM, 1), lambda i: (0, i, 0)),
    ],
    out_specs=[
        pl.BlockSpec((BM, D), lambda i: (i, 0)),
        pl.BlockSpec((BM, 1), lambda i: (i, 0)),
    ],
    out_shape=[
        jax.ShapeDtypeStruct((NP, D), jnp.float32),
        jax.ShapeDtypeStruct((NP, 1), jnp.float32),
    ],
)

_mid_call = pl.pallas_call(
    _mid_body,
    grid=(_G,),
    in_specs=[
        pl.BlockSpec((NC, BM, D), lambda i: (0, i, 0)),
        pl.BlockSpec((BM, D), lambda i: (i, 0)),
        pl.BlockSpec((BM, 1), lambda i: (i, 0)),
        pl.BlockSpec((1, D), lambda i: (0, 0)),
        pl.BlockSpec((D, D), lambda i: (0, 0)),
    ],
    out_specs=pl.BlockSpec((BM, D), lambda i: (i, 0)),
    out_shape=jax.ShapeDtypeStruct((NP, D), jnp.float32),
)

_fin_call = pl.pallas_call(
    _fin_body,
    grid=(_G,),
    in_specs=[
        pl.BlockSpec((NC, BM, D), lambda i: (0, i, 0)),
        pl.BlockSpec((BM, D), lambda i: (i, 0)),
        pl.BlockSpec((BM, 1), lambda i: (i, 0)),
        pl.BlockSpec((1, D), lambda i: (0, 0)),
    ],
    out_specs=pl.BlockSpec((BM, D), lambda i: (i, 0)),
    out_shape=jax.ShapeDtypeStruct((NP, D), jnp.float32),
)


def kernel(x, edge_index, W1, b1, W2, b2):
    src = edge_index[0].astype(jnp.int32)
    dst = edge_index[1].astype(jnp.int32)
    pad = jnp.full((EP - E,), N, jnp.int32)
    src_p = jnp.concatenate([src, pad]).reshape(NW, TPB, CH)
    dst_p = jnp.concatenate([dst, pad]).reshape(NW, TPB, CH)
    x_p = jnp.concatenate(
        [x.astype(jnp.float32), jnp.zeros((NP - N, D), jnp.float32)])
    zero_nd = jnp.zeros((NP, D), jnp.float32)
    b1r = b1.reshape(1, D).astype(jnp.float32)
    b2r = b2.reshape(1, D).astype(jnp.float32)

    src_m = src_p.reshape(NW, MTPB, MCH)
    dst_m = dst_p.reshape(NW, MTPB, MCH)

    deg = _deg_call(dst_p)
    degr = deg.reshape(NC, NP, 1)
    hp1, u = _mm1_call(x_p, W1.astype(jnp.float32), degr)
    acc1 = _msg_call(hp1, src_m, dst_m, zero_nd)
    hp2 = _mid_call(acc1, hp1, u, b1r, W2.astype(jnp.float32))
    acc2 = _msg_call(hp2, src_m, dst_m, zero_nd)
    out = _fin_call(acc2, hp2, u, b2r)
    return out[:N]

# --- scband reference (transcript-rebuilt; emitter-appended) ---
"""Pipeline reference for scband-gcnblock-2491081031682 (READ-ONLY COPY).

The authoritative reference and input builder live on the scoring server;
editing this copy changes nothing except your own understanding.
"""

import jax, jax.numpy as jnp
import numpy as np

N_NODES = 10000
N_EDGES = 320000
D_IN = 128
D_OUT = 128


def gcn_conv(x, edge_index, W, b):
    # Faithful GCNConv: add self-loops, symmetric normalization D^-1/2 (A+I) D^-1/2 X W + b
    N = x.shape[0]
    src = edge_index[0]
    dst = edge_index[1]
    loop = jnp.arange(N, dtype=src.dtype)
    src = jnp.concatenate([src, loop])
    dst = jnp.concatenate([dst, loop])
    deg = jnp.zeros((N,), dtype=x.dtype).at[dst].add(1.0)
    deg_inv_sqrt = jnp.where(deg > 0, deg ** -0.5, 0.0)
    norm = deg_inv_sqrt[src] * deg_inv_sqrt[dst]
    h = x @ W
    msgs = h[src] * norm[:, None]
    out = jnp.zeros((N, W.shape[1]), dtype=x.dtype).at[dst].add(msgs)
    return out + b


def setup_inputs(seed: int = 0) -> dict:
    key = jax.random.key(seed)
    k_x, k_e, k_w1, k_b1, k_w2, k_b2 = [jax.random.fold_in(key, i) for i in range(6)]
    x = jax.random.normal(k_x, (N_NODES, D_IN), dtype=jnp.float32)
    edge_index = jax.random.randint(k_e, (2, N_EDGES), 0, N_NODES, dtype=jnp.int64)
    s1 = (6.0 / (D_IN + D_OUT)) ** 0.5
    s2 = (6.0 / (D_OUT + D_OUT)) ** 0.5
    W1 = jax.random.uniform(k_w1, (D_IN, D_OUT), dtype=jnp.float32, minval=-s1, maxval=s1)
    b1 = jnp.zeros((D_OUT,), dtype=jnp.float32)
    W2 = jax.random.uniform(k_w2, (D_OUT, D_OUT), dtype=jnp.float32, minval=-s2, maxval=s2)
    b2 = jnp.zeros((D_OUT,), dtype=jnp.float32)
    return {"x": x, "edge_index": edge_index, "W1": W1, "b1": b1, "W2": W2, "b2": b2}


def reference(x, edge_index, W1, b1, W2, b2):
    h = gcn_conv(x, edge_index, W1, b1)
    h = jax.nn.relu(h)
    out = gcn_conv(h, edge_index, W2, b2)
    return out

if __name__ == "__main__":
    import jax
    _d = setup_inputs()
    print(jax.jit(kernel)(*tuple(_d.values())))

</pallas_src>

<mosaic_0001>
#map = affine_map<(d0, d1) -> (0, 0)>
#map1 = affine_map<(d0, d1) -> (0, 0, 0)>
module attributes {stable_mosaic.version = 14 : i64} {
  func.func @_msg_body(%arg0: i32, %arg1: i32, %arg2: memref<10240x128xf32, #tpu.memory_space<hbm>>, %arg3: memref<32x80x128xi32, #tpu.memory_space<hbm>>, %arg4: memref<32x80x128xi32, #tpu.memory_space<hbm>>, %arg5: memref<10240x128xf32, #tpu.memory_space<hbm>>, %arg6: memref<2x10240x128xf32, #tpu.memory_space<hbm>>, %arg7: memref<40x128xi32, #tpu.memory_space<vmem>>, %arg8: memref<40x128xi32, #tpu.memory_space<vmem>>, %arg9: memref<128x128xf32, #tpu.memory_space<vmem>>, %arg10: memref<128x128xf32, #tpu.memory_space<vmem>>, %arg11: memref<10240x128xf32, #tpu.memory_space<vmem_shared>>, %arg12: memref<!tpu.dma_semaphore, #tpu.memory_space<semaphore_mem>>, %arg13: memref<!tpu.dma_semaphore, #tpu.memory_space<semaphore_mem>>) attributes {dimension_semantics = [#tpu.dimension_semantics<core_parallel>, #tpu.dimension_semantics<subcore_parallel>], iteration_bounds = array<i64: 2, 16>, scalar_prefetch = 0 : i64, scratch_operands = 7 : i64, tpu.core_type = #tpu.core_type<sc_vector_subcore>, window_params = [{transform_indices = #map}, {transform_indices = #map1}, {transform_indices = #map1}, {transform_indices = #map}, {transform_indices = #map1}]} {
    %mul3A = arith.constant 16 : i32
    %mul3A_0 = arith.muli %arg0, %mul3A : i32
    %add3A = arith.addi %mul3A_0, %arg1 : i32
    %mul3A_1 = arith.constant 640 : i32
    %mul3A_2 = arith.muli %arg1, %mul3A_1 : i32
    %mul3A_3 = arith.constant 640 : i32
    %mul3A_4 = arith.muli %arg1, %mul3A_3 : i32
    "tpu.region"() ({
      %run_scoped3A = tpu.sem_alloc : memref<!tpu.dma_semaphore, #tpu.memory_space<semaphore_mem>>
      %dma_start3A_34 = arith.constant 0 : i32
      %dma_start3A_35 = tpu.memref_slice %arg11[%mul3A_4, %dma_start3A_34] : memref<10240x128xf32, #tpu.memory_space<vmem_shared>> -> memref<640x128xf32, #tpu.memory_space<vmem_shared>>
      %dma_start3A_36 = arith.constant 0 : i32
      %dma_start3A_37 = tpu.memref_slice %arg5[%mul3A_2, %dma_start3A_36] : memref<10240x128xf32, #tpu.memory_space<hbm>> -> memref<640x128xf32, #tpu.memory_space<hbm>>
      tpu.enqueue_dma source(%dma_start3A_37 : memref<640x128xf32, #tpu.memory_space<hbm>>) target(%dma_start3A_35 : memref<640x128xf32, #tpu.memory_space<vmem_shared>>) target_semaphore(%run_scoped3A : memref<!tpu.dma_semaphore, #tpu.memory_space<semaphore_mem>>)
      %dma_wait3A = arith.constant 0 : i32
      %dma_wait3A_38 = tpu.memref_slice %arg11[%mul3A_4, %dma_wait3A] : memref<10240x128xf32, #tpu.memory_space<vmem_shared>> -> memref<640x128xf32, #tpu.memory_space<vmem_shared>>
      %dma_wait3A_39 = arith.constant 0 : i32
      %dma_wait3A_40 = tpu.memref_slice %arg5[%mul3A_2, %dma_wait3A_39] : memref<10240x128xf32, #tpu.memory_space<hbm>> -> memref<640x128xf32, #tpu.memory_space<hbm>>
      tpu.wait_dma2 semaphore(%run_scoped3A : memref<!tpu.dma_semaphore, #tpu.memory_space<semaphore_mem>>) src(%dma_wait3A_40 : memref<640x128xf32, #tpu.memory_space<hbm>>) dst(%dma_wait3A_38 : memref<640x128xf32, #tpu.memory_space<vmem_shared>>)
      tpu.yield
    }) : () -> ()
    %barrier3A = arith.constant 0 : index
    tpu.barrier barrier_id(%barrier3A)
    "tpu.region"() ({
      %run_scoped3A = tpu.sem_alloc : memref<!tpu.dma_semaphore, #tpu.memory_space<semaphore_mem>>
      %dma_start3A_34 = arith.constant 0 : i32
      %dma_start3A_35 = arith.constant 0 : i32
      %dma_start3A_36 = tpu.memref_slice %arg3[%add3A, %dma_start3A_34, %dma_start3A_35] : memref<32x80x128xi32, #tpu.memory_space<hbm>> -> memref<1x40x128xi32, #tpu.memory_space<hbm>>
      %dma_start3A_37 = tpu.memref_squeeze %dma_start3A_36 : memref<1x40x128xi32, #tpu.memory_space<hbm>> -> memref<40x128xi32, #tpu.memory_space<hbm>>
      %dma_start3A_38 = arith.constant 0 : i32
      %dma_start3A_39 = arith.constant 0 : i32
      %dma_start3A_40 = tpu.memref_slice %arg3[%add3A, %dma_start3A_38, %dma_start3A_39] : memref<32x80x128xi32, #tpu.memory_space<hbm>> -> memref<1x40x128xi32, #tpu.memory_space<hbm>>
      %dma_start3A_41 = tpu.memref_squeeze %dma_start3A_40 : memref<1x40x128xi32, #tpu.memory_space<hbm>> -> memref<40x128xi32, #tpu.memory_space<hbm>>
      tpu.enqueue_dma source(%dma_start3A_41 : memref<40x128xi32, #tpu.memory_space<hbm>>) target(%arg7 : memref<40x128xi32, #tpu.memory_space<vmem>>) target_semaphore(%run_scoped3A : memref<!tpu.dma_semaphore, #tpu.memory_space<semaphore_mem>>)
      %dma_wait3A = arith.constant 0 : i32
      %dma_wait3A_42 = arith.constant 0 : i32
      %dma_wait3A_43 = tpu.memref_slice %arg3[%add3A, %dma_wait3A, %dma_wait3A_42] : memref<32x80x128xi32, #tpu.memory_space<hbm>> -> memref<1x40x128xi32, #tpu.memory_space<hbm>>
      %dma_wait3A_44 = tpu.memref_squeeze %dma_wait3A_43 : memref<1x40x128xi32, #tpu.memory_space<hbm>> -> memref<40x128xi32, #tpu.memory_space<hbm>>
      %dma_wait3A_45 = arith.constant 0 : i32
      %dma_wait3A_46 = arith.constant 0 : i32
      %dma_wait3A_47 = tpu.memref_slice %arg3[%add3A, %dma_wait3A_45, %dma_wait3A_46] : memref<32x80x128xi32, #tpu.memory_space<hbm>> -> memref<1x40x128xi32, #tpu.memory_space<hbm>>
      %dma_wait3A_48 = tpu.memref_squeeze %dma_wait3A_47 : memref<1x40x128xi32, #tpu.memory_space<hbm>> -> memref<40x128xi32, #tpu.memory_space<hbm>>
      tpu.wait_dma2 semaphore(%run_scoped3A : memref<!tpu.dma_semaphore, #tpu.memory_space<semaphore_mem>>) src(%dma_wait3A_48 : memref<40x128xi32, #tpu.memory_space<hbm>>) dst(%arg7 : memref<40x128xi32, #tpu.memory_space<vmem>>)
      tpu.yield
    }) : () -> ()
    "tpu.region"() ({
      %run_scoped3A = tpu.sem_alloc : memref<!tpu.dma_semaphore, #tpu.memory_space<semaphore_mem>>
      %dma_start3A_34 = arith.constant 0 : i32
      %dma_start3A_35 = arith.constant 0 : i32
      %dma_start3A_36 = tpu.memref_slice %arg4[%add3A, %dma_start3A_34, %dma_start3A_35] : memref<32x80x128xi32, #tpu.memory_space<hbm>> -> memref<1x40x128xi32, #tpu.memory_space<hbm>>
      %dma_start3A_37 = tpu.memref_squeeze %dma_start3A_36 : memref<1x40x128xi32, #tpu.memory_space<hbm>> -> memref<40x128xi32, #tpu.memory_space<hbm>>
      %dma_start3A_38 = arith.constant 0 : i32
      %dma_start3A_39 = arith.constant 0 : i32
      %dma_start3A_40 = tpu.memref_slice %arg4[%add3A, %dma_start3A_38, %dma_start3A_39] : memref<32x80x128xi32, #tpu.memory_space<hbm>> -> memref<1x40x128xi32, #tpu.memory_space<hbm>>
      %dma_start3A_41 = tpu.memref_squeeze %dma_start3A_40 : memref<1x40x128xi32, #tpu.memory_space<hbm>> -> memref<40x128xi32, #tpu.memory_space<hbm>>
      tpu.enqueue_dma source(%dma_start3A_41 : memref<40x128xi32, #tpu.memory_space<hbm>>) target(%arg8 : memref<40x128xi32, #tpu.memory_space<vmem>>) target_semaphore(%run_scoped3A : memref<!tpu.dma_semaphore, #tpu.memory_space<semaphore_mem>>)
      %dma_wait3A = arith.constant 0 : i32
      %dma_wait3A_42 = arith.constant 0 : i32
      %dma_wait3A_43 = tpu.memref_slice %arg4[%add3A, %dma_wait3A, %dma_wait3A_42] : memref<32x80x128xi32, #tpu.memory_space<hbm>> -> memref<1x40x128xi32, #tpu.memory_space<hbm>>
      %dma_wait3A_44 = tpu.memref_squeeze %dma_wait3A_43 : memref<1x40x128xi32, #tpu.memory_space<hbm>> -> memref<40x128xi32, #tpu.memory_space<hbm>>
      %dma_wait3A_45 = arith.constant 0 : i32
      %dma_wait3A_46 = arith.constant 0 : i32
      %dma_wait3A_47 = tpu.memref_slice %arg4[%add3A, %dma_wait3A_45, %dma_wait3A_46] : memref<32x80x128xi32, #tpu.memory_space<hbm>> -> memref<1x40x128xi32, #tpu.memory_space<hbm>>
      %dma_wait3A_48 = tpu.memref_squeeze %dma_wait3A_47 : memref<1x40x128xi32, #tpu.memory_space<hbm>> -> memref<40x128xi32, #tpu.memory_space<hbm>>
      tpu.wait_dma2 semaphore(%run_scoped3A : memref<!tpu.dma_semaphore, #tpu.memory_space<semaphore_mem>>) src(%dma_wait3A_48 : memref<40x128xi32, #tpu.memory_space<hbm>>) dst(%arg8 : memref<40x128xi32, #tpu.memory_space<vmem>>)
      tpu.yield
    }) : () -> ()
    %dma_start3A = arith.constant 0 : i32
    %dma_start3A_5 = arith.constant 0 : i32
    %dma_start3A_6 = tpu.memref_slice %arg7[%dma_start3A, %dma_start3A_5] : memref<40x128xi32, #tpu.memory_space<vmem>> -> memref<1x128xi32, #tpu.memory_space<vmem>>
    %dma_start3A_7 = tpu.memref_squeeze %dma_start3A_6 : memref<1x128xi32, #tpu.memory_space<vmem>> -> memref<128xi32, #tpu.memory_space<vmem>>
    %dma_start3A_8 = arith.constant 0 : i32
    %dma_start3A_9 = arith.constant 0 : i32
    %dma_start3A_10 = tpu.memref_slice %arg2[%dma_start3A_8, %dma_start3A_9] : memref<10240x128xf32, #tpu.memory_space<hbm>> -> memref<10240x128xf32, #tpu.memory_space<hbm>>
    tpu.enqueue_indirect_dma source(%dma_start3A_10 : memref<10240x128xf32, #tpu.memory_space<hbm>>) target(%arg9 : memref<128x128xf32, #tpu.memory_space<vmem>>) offsets(%dma_start3A_7 : memref<128xi32, #tpu.memory_space<vmem>>) semaphore(%arg12 : memref<!tpu.dma_semaphore, #tpu.memory_space<semaphore_mem>>)
    %scan3A = arith.constant 0 : i32
    %scan3A_11 = arith.constant 0 : i32
    %scan3A_12 = arith.constant 20 : i32
    %scan3A_13 = arith.addi %scan3A_11, %scan3A_12 : i32
    %scan3A_14 = arith.constant 1 : i32
    scf.for %scan3A_34 = %scan3A_11 to %scan3A_13 step %scan3A_14  : i32 {
      %mul3A_35 = arith.constant 2 : i32
      %mul3A_36 = arith.muli %scan3A_34, %mul3A_35 : i32
      %add3A_37 = arith.constant 0 : i32
      %add3A_38 = arith.addi %mul3A_36, %add3A_37 : i32
      %add3A_39 = arith.constant 1 : i32
      %add3A_40 = arith.addi %add3A_38, %add3A_39 : i32
      %lt3A = arith.constant 40 : i32
      %lt3A_41 = arith.cmpi slt, %add3A_40, %lt3A : i32
      %convert_element_type3A = arith.extui %lt3A_41 : i1 to i32
      %cond3A = arith.constant 0 : i32
      %cond3A_42 = arith.cmpi ne, %convert_element_type3A, %cond3A : i32
      scf.if %cond3A_42 {
        %add3A_65 = arith.constant 1 : i32
        %add3A_66 = arith.addi %add3A_38, %add3A_65 : i32
        %dma_start3A_67 = arith.constant 0 : i32
        %dma_start3A_68 = tpu.memref_slice %arg7[%add3A_66, %dma_start3A_67] : memref<40x128xi32, #tpu.memory_space<vmem>> -> memref<1x128xi32, #tpu.memory_space<vmem>>
        %dma_start3A_69 = tpu.memref_squeeze %dma_start3A_68 : memref<1x128xi32, #tpu.memory_space<vmem>> -> memref<128xi32, #tpu.memory_space<vmem>>
        %dma_start3A_70 = arith.constant 0 : i32
        %dma_start3A_71 = arith.constant 0 : i32
        %dma_start3A_72 = tpu.memref_slice %arg2[%dma_start3A_70, %dma_start3A_71] : memref<10240x128xf32, #tpu.memory_space<hbm>> -> memref<10240x128xf32, #tpu.memory_space<hbm>>
        tpu.enqueue_indirect_dma source(%dma_start3A_72 : memref<10240x128xf32, #tpu.memory_space<hbm>>) target(%arg10 : memref<128x128xf32, #tpu.memory_space<vmem>>) offsets(%dma_start3A_69 : memref<128xi32, #tpu.memory_space<vmem>>) semaphore(%arg13 : memref<!tpu.dma_semaphore, #tpu.memory_space<semaphore_mem>>)
      } else {
      }
      %dma_wait3A = arith.constant 0 : i32
      %dma_wait3A_43 = arith.constant 0 : i32
      %dma_wait3A_44 = tpu.memref_slice %arg2[%dma_wait3A, %dma_wait3A_43] : memref<10240x128xf32, #tpu.memory_space<hbm>> -> memref<128x128xf32, #tpu.memory_space<hbm>>
      %dma_wait3A_45 = arith.constant 0 : i32
      %dma_wait3A_46 = arith.constant 0 : i32
      %dma_wait3A_47 = tpu.memref_slice %arg2[%dma_wait3A_45, %dma_wait3A_46] : memref<10240x128xf32, #tpu.memory_space<hbm>> -> memref<128x128xf32, #tpu.memory_space<hbm>>
      tpu.wait_dma2 semaphore(%arg12 : memref<!tpu.dma_semaphore, #tpu.memory_space<semaphore_mem>>) src(%dma_wait3A_47 : memref<128x128xf32, #tpu.memory_space<hbm>>) dst(%arg9 : memref<128x128xf32, #tpu.memory_space<vmem>>)
      "tpu.region"() ({
        %run_scoped3A = tpu.sem_alloc : memref<!tpu.dma_semaphore, #tpu.memory_space<semaphore_mem>>
        %dma_start3A_65 = arith.constant 0 : i32
        %dma_start3A_66 = tpu.memref_slice %arg8[%add3A_38, %dma_start3A_65] : memref<40x128xi32, #tpu.memory_space<vmem>> -> memref<1x128xi32, #tpu.memory_space<vmem>>
        %dma_start3A_67 = tpu.memref_squeeze %dma_start3A_66 : memref<1x128xi32, #tpu.memory_space<vmem>> -> memref<128xi32, #tpu.memory_space<vmem>>
        %dma_start3A_68 = arith.constant 0 : i32
        %dma_start3A_69 = arith.constant 0 : i32
        %dma_start3A_70 = tpu.memref_slice %arg11[%dma_start3A_68, %dma_start3A_69] : memref<10240x128xf32, #tpu.memory_space<vmem_shared>> -> memref<10240x128xf32, #tpu.memory_space<vmem_shared>>
        tpu.enqueue_indirect_dma source(%arg9 : memref<128x128xf32, #tpu.memory_space<vmem>>) target(%dma_start3A_70 : memref<10240x128xf32, #tpu.memory_space<vmem_shared>>) offsets(%dma_start3A_67 : memref<128xi32, #tpu.memory_space<vmem>>) semaphore(%run_scoped3A : memref<!tpu.dma_semaphore, #tpu.memory_space<semaphore_mem>>) {add = true}
        %dma_wait3A_71 = arith.constant 0 : i32
        %dma_wait3A_72 = tpu.memref_slice %arg8[%add3A_38, %dma_wait3A_71] : memref<40x128xi32, #tpu.memory_space<vmem>> -> memref<1x128xi32, #tpu.memory_space<vmem>>
        %dma_wait3A_73 = tpu.memref_squeeze %dma_wait3A_72 : memref<1x128xi32, #tpu.memory_space<vmem>> -> memref<128xi32, #tpu.memory_space<vmem>>
        %dma_wait3A_74 = arith.constant 0 : i32
        %dma_wait3A_75 = arith.constant 0 : i32
        %dma_wait3A_76 = tpu.memref_slice %arg11[%dma_wait3A_74, %dma_wait3A_75] : memref<10240x128xf32, #tpu.memory_space<vmem_shared>> -> memref<10240x128xf32, #tpu.memory_space<vmem_shared>>
        tpu.wait_indirect_dma semaphore(%run_scoped3A : memref<!tpu.dma_semaphore, #tpu.memory_space<semaphore_mem>>) src(%arg9 : memref<128x128xf32, #tpu.memory_space<vmem>>) dst(%dma_wait3A_76 : memref<10240x128xf32, #tpu.memory_space<vmem_shared>>)
        tpu.yield
      }) : () -> ()
      %mul3A_48 = arith.constant 2 : i32
      %mul3A_49 = arith.muli %scan3A_34, %mul3A_48 : i32
      %add3A_50 = arith.constant 1 : i32
      %add3A_51 = arith.addi %mul3A_49, %add3A_50 : i32
      %add3A_52 = arith.constant 1 : i32
      %add3A_53 = arith.addi %add3A_51, %add3A_52 : i32
      %lt3A_54 = arith.constant 40 : i32
      %lt3A_55 = arith.cmpi slt, %add3A_53, %lt3A_54 : i32
      %convert_element_type3A_56 = arith.extui %lt3A_55 : i1 to i32
      %cond3A_57 = arith.constant 0 : i32
      %cond3A_58 = arith.cmpi ne, %convert_element_type3A_56, %cond3A_57 : i32
      scf.if %cond3A_58 {
        %add3A_65 = arith.constant 1 : i32
        %add3A_66 = arith.addi %add3A_51, %add3A_65 : i32
        %dma_start3A_67 = arith.constant 0 : i32
        %dma_start3A_68 = tpu.memref_slice %arg7[%add3A_66, %dma_start3A_67] : memref<40x128xi32, #tpu.memory_space<vmem>> -> memref<1x128xi32, #tpu.memory_space<vmem>>
        %dma_start3A_69 = tpu.memref_squeeze %dma_start3A_68 : memref<1x128xi32, #tpu.memory_space<vmem>> -> memref<128xi32, #tpu.memory_space<vmem>>
        %dma_start3A_70 = arith.constant 0 : i32
        %dma_start3A_71 = arith.constant 0 : i32
        %dma_start3A_72 = tpu.memref_slice %arg2[%dma_start3A_70, %dma_start3A_71] : memref<10240x128xf32, #tpu.memory_space<hbm>> -> memref<10240x128xf32, #tpu.memory_space<hbm>>
        tpu.enqueue_indirect_dma source(%dma_start3A_72 : memref<10240x128xf32, #tpu.memory_space<hbm>>) target(%arg9 : memref<128x128xf32, #tpu.memory_space<vmem>>) offsets(%dma_start3A_69 : memref<128xi32, #tpu.memory_space<vmem>>) semaphore(%arg12 : memref<!tpu.dma_semaphore, #tpu.memory_space<semaphore_mem>>)
      } else {
      }
      %dma_wait3A_59 = arith.constant 0 : i32
      %dma_wait3A_60 = arith.constant 0 : i32
      %dma_wait3A_61 = tpu.memref_slice %arg2[%dma_wait3A_59, %dma_wait3A_60] : memref<10240x128xf32, #tpu.memory_space<hbm>> -> memref<128x128xf32, #tpu.memory_space<hbm>>
      %dma_wait3A_62 = arith.constant 0 : i32
      %dma_wait3A_63 = arith.constant 0 : i32
      %dma_wait3A_64 = tpu.memref_slice %arg2[%dma_wait3A_62, %dma_wait3A_63] : memref<10240x128xf32, #tpu.memory_space<hbm>> -> memref<128x128xf32, #tpu.memory_space<hbm>>
      tpu.wait_dma2 semaphore(%arg13 : memref<!tpu.dma_semaphore, #tpu.memory_space<semaphore_mem>>) src(%dma_wait3A_64 : memref<128x128xf32, #tpu.memory_space<hbm>>) dst(%arg10 : memref<128x128xf32, #tpu.memory_space<vmem>>)
      "tpu.region"() ({
        %run_scoped3A = tpu.sem_alloc : memref<!tpu.dma_semaphore, #tpu.memory_space<semaphore_mem>>
        %dma_start3A_65 = arith.constant 0 : i32
        %dma_start3A_66 = tpu.memref_slice %arg8[%add3A_51, %dma_start3A_65] : memref<40x128xi32, #tpu.memory_space<vmem>> -> memref<1x128xi32, #tpu.memory_space<vmem>>
        %dma_start3A_67 = tpu.memref_squeeze %dma_start3A_66 : memref<1x128xi32, #tpu.memory_space<vmem>> -> memref<128xi32, #tpu.memory_space<vmem>>
        %dma_start3A_68 = arith.constant 0 : i32
        %dma_start3A_69 = arith.constant 0 : i32
        %dma_start3A_70 = tpu.memref_slice %arg11[%dma_start3A_68, %dma_start3A_69] : memref<10240x128xf32, #tpu.memory_space<vmem_shared>> -> memref<10240x128xf32, #tpu.memory_space<vmem_shared>>
        tpu.enqueue_indirect_dma source(%arg10 : memref<128x128xf32, #tpu.memory_space<vmem>>) target(%dma_start3A_70 : memref<10240x128xf32, #tpu.memory_space<vmem_shared>>) offsets(%dma_start3A_67 : memref<128xi32, #tpu.memory_space<vmem>>) semaphore(%run_scoped3A : memref<!tpu.dma_semaphore, #tpu.memory_space<semaphore_mem>>) {add = true}
        %dma_wait3A_71 = arith.constant 0 : i32
        %dma_wait3A_72 = tpu.memref_slice %arg8[%add3A_51, %dma_wait3A_71] : memref<40x128xi32, #tpu.memory_space<vmem>> -> memref<1x128xi32, #tpu.memory_space<vmem>>
        %dma_wait3A_73 = tpu.memref_squeeze %dma_wait3A_72 : memref<1x128xi32, #tpu.memory_space<vmem>> -> memref<128xi32, #tpu.memory_space<vmem>>
        %dma_wait3A_74 = arith.constant 0 : i32
        %dma_wait3A_75 = arith.constant 0 : i32
        %dma_wait3A_76 = tpu.memref_slice %arg11[%dma_wait3A_74, %dma_wait3A_75] : memref<10240x128xf32, #tpu.memory_space<vmem_shared>> -> memref<10240x128xf32, #tpu.memory_space<vmem_shared>>
        tpu.wait_indirect_dma semaphore(%run_scoped3A : memref<!tpu.dma_semaphore, #tpu.memory_space<semaphore_mem>>) src(%arg10 : memref<128x128xf32, #tpu.memory_space<vmem>>) dst(%dma_wait3A_76 : memref<10240x128xf32, #tpu.memory_space<vmem_shared>>)
        tpu.yield
      }) : () -> ()
    }
    %scan3A_15 = arith.constant 20 : i32
    "tpu.region"() ({
      %run_scoped3A = tpu.sem_alloc : memref<!tpu.dma_semaphore, #tpu.memory_space<semaphore_mem>>
      %dma_start3A_34 = arith.constant 40 : i32
      %dma_start3A_35 = arith.constant 0 : i32
      %dma_start3A_36 = tpu.memref_slice %arg3[%add3A, %dma_start3A_34, %dma_start3A_35] : memref<32x80x128xi32, #tpu.memory_space<hbm>> -> memref<1x40x128xi32, #tpu.memory_space<hbm>>
      %dma_start3A_37 = tpu.memref_squeeze %dma_start3A_36 : memref<1x40x128xi32, #tpu.memory_space<hbm>> -> memref<40x128xi32, #tpu.memory_space<hbm>>
      %dma_start3A_38 = arith.constant 40 : i32
      %dma_start3A_39 = arith.constant 0 : i32
      %dma_start3A_40 = tpu.memref_slice %arg3[%add3A, %dma_start3A_38, %dma_start3A_39] : memref<32x80x128xi32, #tpu.memory_space<hbm>> -> memref<1x40x128xi32, #tpu.memory_space<hbm>>
      %dma_start3A_41 = tpu.memref_squeeze %dma_start3A_40 : memref<1x40x128xi32, #tpu.memory_space<hbm>> -> memref<40x128xi32, #tpu.memory_space<hbm>>
      tpu.enqueue_dma source(%dma_start3A_41 : memref<40x128xi32, #tpu.memory_space<hbm>>) target(%arg7 : memref<40x128xi32, #tpu.memory_space<vmem>>) target_semaphore(%run_scoped3A : memref<!tpu.dma_semaphore, #tpu.memory_space<semaphore_mem>>)
      %dma_wait3A = arith.constant 40 : i32
      %dma_wait3A_42 = arith.constant 0 : i32
      %dma_wait3A_43 = tpu.memref_slice %arg3[%add3A, %dma_wait3A, %dma_wait3A_42] : memref<32x80x128xi32, #tpu.memory_space<hbm>> -> memref<1x40x128xi32, #tpu.memory_space<hbm>>
      %dma_wait3A_44 = tpu.memref_squeeze %dma_wait3A_43 : memref<1x40x128xi32, #tpu.memory_space<hbm>> -> memref<40x128xi32, #tpu.memory_space<hbm>>
      %dma_wait3A_45 = arith.constant 40 : i32
      %dma_wait3A_46 = arith.constant 0 : i32
      %dma_wait3A_47 = tpu.memref_slice %arg3[%add3A, %dma_wait3A_45, %dma_wait3A_46] : memref<32x80x128xi32, #tpu.memory_space<hbm>> -> memref<1x40x128xi32, #tpu.memory_space<hbm>>
      %dma_wait3A_48 = tpu.memref_squeeze %dma_wait3A_47 : memref<1x40x128xi32, #tpu.memory_space<hbm>> -> memref<40x128xi32, #tpu.memory_space<hbm>>
      tpu.wait_dma2 semaphore(%run_scoped3A : memref<!tpu.dma_semaphore, #tpu.memory_space<semaphore_mem>>) src(%dma_wait3A_48 : memref<40x128xi32, #tpu.memory_space<hbm>>) dst(%arg7 : memref<40x128xi32, #tpu.memory_space<vmem>>)
      tpu.yield
    }) : () -> ()
    "tpu.region"() ({
      %run_scoped3A = tpu.sem_alloc : memref<!tpu.dma_semaphore, #tpu.memory_space<semaphore_mem>>
      %dma_start3A_34 = arith.constant 40 : i32
      %dma_start3A_35 = arith.constant 0 : i32
      %dma_start3A_36 = tpu.memref_slice %arg4[%add3A, %dma_start3A_34, %dma_start3A_35] : memref<32x80x128xi32, #tpu.memory_space<hbm>> -> memref<1x40x128xi32, #tpu.memory_space<hbm>>
      %dma_start3A_37 = tpu.memref_squeeze %dma_start3A_36 : memref<1x40x128xi32, #tpu.memory_space<hbm>> -> memref<40x128xi32, #tpu.memory_space<hbm>>
      %dma_start3A_38 = arith.constant 40 : i32
      %dma_start3A_39 = arith.constant 0 : i32
      %dma_start3A_40 = tpu.memref_slice %arg4[%add3A, %dma_start3A_38, %dma_start3A_39] : memref<32x80x128xi32, #tpu.memory_space<hbm>> -> memref<1x40x128xi32, #tpu.memory_space<hbm>>
      %dma_start3A_41 = tpu.memref_squeeze %dma_start3A_40 : memref<1x40x128xi32, #tpu.memory_space<hbm>> -> memref<40x128xi32, #tpu.memory_space<hbm>>
      tpu.enqueue_dma source(%dma_start3A_41 : memref<40x128xi32, #tpu.memory_space<hbm>>) target(%arg8 : memref<40x128xi32, #tpu.memory_space<vmem>>) target_semaphore(%run_scoped3A : memref<!tpu.dma_semaphore, #tpu.memory_space<semaphore_mem>>)
      %dma_wait3A = arith.constant 40 : i32
      %dma_wait3A_42 = arith.constant 0 : i32
      %dma_wait3A_43 = tpu.memref_slice %arg4[%add3A, %dma_wait3A, %dma_wait3A_42] : memref<32x80x128xi32, #tpu.memory_space<hbm>> -> memref<1x40x128xi32, #tpu.memory_space<hbm>>
      %dma_wait3A_44 = tpu.memref_squeeze %dma_wait3A_43 : memref<1x40x128xi32, #tpu.memory_space<hbm>> -> memref<40x128xi32, #tpu.memory_space<hbm>>
      %dma_wait3A_45 = arith.constant 40 : i32
      %dma_wait3A_46 = arith.constant 0 : i32
      %dma_wait3A_47 = tpu.memref_slice %arg4[%add3A, %dma_wait3A_45, %dma_wait3A_46] : memref<32x80x128xi32, #tpu.memory_space<hbm>> -> memref<1x40x128xi32, #tpu.memory_space<hbm>>
      %dma_wait3A_48 = tpu.memref_squeeze %dma_wait3A_47 : memref<1x40x128xi32, #tpu.memory_space<hbm>> -> memref<40x128xi32, #tpu.memory_space<hbm>>
      tpu.wait_dma2 semaphore(%run_scoped3A : memref<!tpu.dma_semaphore, #tpu.memory_space<semaphore_mem>>) src(%dma_wait3A_48 : memref<40x128xi32, #tpu.memory_space<hbm>>) dst(%arg8 : memref<40x128xi32, #tpu.memory_space<vmem>>)
      tpu.yield
    }) : () -> ()
    %dma_start3A_16 = arith.constant 0 : i32
    %dma_start3A_17 = arith.constant 0 : i32
    %dma_start3A_18 = tpu.memref_slice %arg7[%dma_start3A_16, %dma_start3A_17] : memref<40x128xi32, #tpu.memory_space<vmem>> -> memref<1x128xi32, #tpu.memory_space<vmem>>
    %dma_start3A_19 = tpu.memref_squeeze %dma_start3A_18 : memref<1x128xi32, #tpu.memory_space<vmem>> -> memref<128xi32, #tpu.memory_space<vmem>>
    %dma_start3A_20 = arith.constant 0 : i32
    %dma_start3A_21 = arith.constant 0 : i32
    %dma_start3A_22 = tpu.memref_slice %arg2[%dma_start3A_20, %dma_start3A_21] : memref<10240x128xf32, #tpu.memory_space<hbm>> -> memref<10240x128xf32, #tpu.memory_space<hbm>>
    tpu.enqueue_indirect_dma source(%dma_start3A_22 : memref<10240x128xf32, #tpu.memory_space<hbm>>) target(%arg9 : memref<128x128xf32, #tpu.memory_space<vmem>>) offsets(%dma_start3A_19 : memref<128xi32, #tpu.memory_space<vmem>>) semaphore(%arg12 : memref<!tpu.dma_semaphore, #tpu.memory_space<semaphore_mem>>)
    %scan3A_23 = arith.constant 0 : i32
    %scan3A_24 = arith.constant 0 : i32
    %scan3A_25 = arith.constant 20 : i32
    %scan3A_26 = arith.addi %scan3A_24, %scan3A_25 : i32
    %scan3A_27 = arith.constant 1 : i32
    scf.for %scan3A_34 = %scan3A_24 to %scan3A_26 step %scan3A_27  : i32 {
      %mul3A_35 = arith.constant 2 : i32
      %mul3A_36 = arith.muli %scan3A_34, %mul3A_35 : i32
      %add3A_37 = arith.constant 0 : i32
      %add3A_38 = arith.addi %mul3A_36, %add3A_37 : i32
      %add3A_39 = arith.constant 1 : i32
      %add3A_40 = arith.addi %add3A_38, %add3A_39 : i32
      %lt3A = arith.constant 40 : i32
      %lt3A_41 = arith.cmpi slt, %add3A_40, %lt3A : i32
      %convert_element_type3A = arith.extui %lt3A_41 : i1 to i32
      %cond3A = arith.constant 0 : i32
      %cond3A_42 = arith.cmpi ne, %convert_element_type3A, %cond3A : i32
      scf.if %cond3A_42 {
        %add3A_65 = arith.constant 1 : i32
        %add3A_66 = arith.addi %add3A_38, %add3A_65 : i32
        %dma_start3A_67 = arith.constant 0 : i32
        %dma_start3A_68 = tpu.memref_slice %arg7[%add3A_66, %dma_start3A_67] : memref<40x128xi32, #tpu.memory_space<vmem>> -> memref<1x128xi32, #tpu.memory_space<vmem>>
        %dma_start3A_69 = tpu.memref_squeeze %dma_start3A_68 : memref<1x128xi32, #tpu.memory_space<vmem>> -> memref<128xi32, #tpu.memory_space<vmem>>
        %dma_start3A_70 = arith.constant 0 : i32
        %dma_start3A_71 = arith.constant 0 : i32
        %dma_start3A_72 = tpu.memref_slice %arg2[%dma_start3A_70, %dma_start3A_71] : memref<10240x128xf32, #tpu.memory_space<hbm>> -> memref<10240x128xf32, #tpu.memory_space<hbm>>
        tpu.enqueue_indirect_dma source(%dma_start3A_72 : memref<10240x128xf32, #tpu.memory_space<hbm>>) target(%arg10 : memref<128x128xf32, #tpu.memory_space<vmem>>) offsets(%dma_start3A_69 : memref<128xi32, #tpu.memory_space<vmem>>) semaphore(%arg13 : memref<!tpu.dma_semaphore, #tpu.memory_space<semaphore_mem>>)
      } else {
      }
      %dma_wait3A = arith.constant 0 : i32
      %dma_wait3A_43 = arith.constant 0 : i32
      %dma_wait3A_44 = tpu.memref_slice %arg2[%dma_wait3A, %dma_wait3A_43] : memref<10240x128xf32, #tpu.memory_space<hbm>> -> memref<128x128xf32, #tpu.memory_space<hbm>>
      %dma_wait3A_45 = arith.constant 0 : i32
      %dma_wait3A_46 = arith.constant 0 : i32
      %dma_wait3A_47 = tpu.memref_slice %arg2[%dma_wait3A_45, %dma_wait3A_46] : memref<10240x128xf32, #tpu.memory_space<hbm>> -> memref<128x128xf32, #tpu.memory_space<hbm>>
      tpu.wait_dma2 semaphore(%arg12 : memref<!tpu.dma_semaphore, #tpu.memory_space<semaphore_mem>>) src(%dma_wait3A_47 : memref<128x128xf32, #tpu.memory_space<hbm>>) dst(%arg9 : memref<128x128xf32, #tpu.memory_space<vmem>>)
      "tpu.region"() ({
        %run_scoped3A = tpu.sem_alloc : memref<!tpu.dma_semaphore, #tpu.memory_space<semaphore_mem>>
        %dma_start3A_65 = arith.constant 0 : i32
        %dma_start3A_66 = tpu.memref_slice %arg8[%add3A_38, %dma_start3A_65] : memref<40x128xi32, #tpu.memory_space<vmem>> -> memref<1x128xi32, #tpu.memory_space<vmem>>
        %dma_start3A_67 = tpu.memref_squeeze %dma_start3A_66 : memref<1x128xi32, #tpu.memory_space<vmem>> -> memref<128xi32, #tpu.memory_space<vmem>>
        %dma_start3A_68 = arith.constant 0 : i32
        %dma_start3A_69 = arith.constant 0 : i32
        %dma_start3A_70 = tpu.memref_slice %arg11[%dma_start3A_68, %dma_start3A_69] : memref<10240x128xf32, #tpu.memory_space<vmem_shared>> -> memref<10240x128xf32, #tpu.memory_space<vmem_shared>>
        tpu.enqueue_indirect_dma source(%arg9 : memref<128x128xf32, #tpu.memory_space<vmem>>) target(%dma_start3A_70 : memref<10240x128xf32, #tpu.memory_space<vmem_shared>>) offsets(%dma_start3A_67 : memref<128xi32, #tpu.memory_space<vmem>>) semaphore(%run_scoped3A : memref<!tpu.dma_semaphore, #tpu.memory_space<semaphore_mem>>) {add = true}
        %dma_wait3A_71 = arith.constant 0 : i32
        %dma_wait3A_72 = tpu.memref_slice %arg8[%add3A_38, %dma_wait3A_71] : memref<40x128xi32, #tpu.memory_space<vmem>> -> memref<1x128xi32, #tpu.memory_space<vmem>>
        %dma_wait3A_73 = tpu.memref_squeeze %dma_wait3A_72 : memref<1x128xi32, #tpu.memory_space<vmem>> -> memref<128xi32, #tpu.memory_space<vmem>>
        %dma_wait3A_74 = arith.constant 0 : i32
        %dma_wait3A_75 = arith.constant 0 : i32
        %dma_wait3A_76 = tpu.memref_slice %arg11[%dma_wait3A_74, %dma_wait3A_75] : memref<10240x128xf32, #tpu.memory_space<vmem_shared>> -> memref<10240x128xf32, #tpu.memory_space<vmem_shared>>
        tpu.wait_indirect_dma semaphore(%run_scoped3A : memref<!tpu.dma_semaphore, #tpu.memory_space<semaphore_mem>>) src(%arg9 : memref<128x128xf32, #tpu.memory_space<vmem>>) dst(%dma_wait3A_76 : memref<10240x128xf32, #tpu.memory_space<vmem_shared>>)
        tpu.yield
      }) : () -> ()
      %mul3A_48 = arith.constant 2 : i32
      %mul3A_49 = arith.muli %scan3A_34, %mul3A_48 : i32
      %add3A_50 = arith.constant 1 : i32
      %add3A_51 = arith.addi %mul3A_49, %add3A_50 : i32
      %add3A_52 = arith.constant 1 : i32
      %add3A_53 = arith.addi %add3A_51, %add3A_52 : i32
      %lt3A_54 = arith.constant 40 : i32
      %lt3A_55 = arith.cmpi slt, %add3A_53, %lt3A_54 : i32
      %convert_element_type3A_56 = arith.extui %lt3A_55 : i1 to i32
      %cond3A_57 = arith.constant 0 : i32
      %cond3A_58 = arith.cmpi ne, %convert_element_type3A_56, %cond3A_57 : i32
      scf.if %cond3A_58 {
        %add3A_65 = arith.constant 1 : i32
        %add3A_66 = arith.addi %add3A_51, %add3A_65 : i32
        %dma_start3A_67 = arith.constant 0 : i32
        %dma_start3A_68 = tpu.memref_slice %arg7[%add3A_66, %dma_start3A_67] : memref<40x128xi32, #tpu.memory_space<vmem>> -> memref<1x128xi32, #tpu.memory_space<vmem>>
        %dma_start3A_69 = tpu.memref_squeeze %dma_start3A_68 : memref<1x128xi32, #tpu.memory_space<vmem>> -> memref<128xi32, #tpu.memory_space<vmem>>
        %dma_start3A_70 = arith.constant 0 : i32
        %dma_start3A_71 = arith.constant 0 : i32
        %dma_start3A_72 = tpu.memref_slice %arg2[%dma_start3A_70, %dma_start3A_71] : memref<10240x128xf32, #tpu.memory_space<hbm>> -> memref<10240x128xf32, #tpu.memory_space<hbm>>
        tpu.enqueue_indirect_dma source(%dma_start3A_72 : memref<10240x128xf32, #tpu.memory_space<hbm>>) target(%arg9 : memref<128x128xf32, #tpu.memory_space<vmem>>) offsets(%dma_start3A_69 : memref<128xi32, #tpu.memory_space<vmem>>) semaphore(%arg12 : memref<!tpu.dma_semaphore, #tpu.memory_space<semaphore_mem>>)
      } else {
      }
      %dma_wait3A_59 = arith.constant 0 : i32
      %dma_wait3A_60 = arith.constant 0 : i32
      %dma_wait3A_61 = tpu.memref_slice %arg2[%dma_wait3A_59, %dma_wait3A_60] : memref<10240x128xf32, #tpu.memory_space<hbm>> -> memref<128x128xf32, #tpu.memory_space<hbm>>
      %dma_wait3A_62 = arith.constant 0 : i32
      %dma_wait3A_63 = arith.constant 0 : i32
      %dma_wait3A_64 = tpu.memref_slice %arg2[%dma_wait3A_62, %dma_wait3A_63] : memref<10240x128xf32, #tpu.memory_space<hbm>> -> memref<128x128xf32, #tpu.memory_space<hbm>>
      tpu.wait_dma2 semaphore(%arg13 : memref<!tpu.dma_semaphore, #tpu.memory_space<semaphore_mem>>) src(%dma_wait3A_64 : memref<128x128xf32, #tpu.memory_space<hbm>>) dst(%arg10 : memref<128x128xf32, #tpu.memory_space<vmem>>)
      "tpu.region"() ({
        %run_scoped3A = tpu.sem_alloc : memref<!tpu.dma_semaphore, #tpu.memory_space<semaphore_mem>>
        %dma_start3A_65 = arith.constant 0 : i32
        %dma_start3A_66 = tpu.memref_slice %arg8[%add3A_51, %dma_start3A_65] : memref<40x128xi32, #tpu.memory_space<vmem>> -> memref<1x128xi32, #tpu.memory_space<vmem>>
        %dma_start3A_67 = tpu.memref_squeeze %dma_start3A_66 : memref<1x128xi32, #tpu.memory_space<vmem>> -> memref<128xi32, #tpu.memory_space<vmem>>
        %dma_start3A_68 = arith.constant 0 : i32
        %dma_start3A_69 = arith.constant 0 : i32
        %dma_start3A_70 = tpu.memref_slice %arg11[%dma_start3A_68, %dma_start3A_69] : memref<10240x128xf32, #tpu.memory_space<vmem_shared>> -> memref<10240x128xf32, #tpu.memory_space<vmem_shared>>
        tpu.enqueue_indirect_dma source(%arg10 : memref<128x128xf32, #tpu.memory_space<vmem>>) target(%dma_start3A_70 : memref<10240x128xf32, #tpu.memory_space<vmem_shared>>) offsets(%dma_start3A_67 : memref<128xi32, #tpu.memory_space<vmem>>) semaphore(%run_scoped3A : memref<!tpu.dma_semaphore, #tpu.memory_space<semaphore_mem>>) {add = true}
        %dma_wait3A_71 = arith.constant 0 : i32
        %dma_wait3A_72 = tpu.memref_slice %arg8[%add3A_51, %dma_wait3A_71] : memref<40x128xi32, #tpu.memory_space<vmem>> -> memref<1x128xi32, #tpu.memory_space<vmem>>
        %dma_wait3A_73 = tpu.memref_squeeze %dma_wait3A_72 : memref<1x128xi32, #tpu.memory_space<vmem>> -> memref<128xi32, #tpu.memory_space<vmem>>
        %dma_wait3A_74 = arith.constant 0 : i32
        %dma_wait3A_75 = arith.constant 0 : i32
        %dma_wait3A_76 = tpu.memref_slice %arg11[%dma_wait3A_74, %dma_wait3A_75] : memref<10240x128xf32, #tpu.memory_space<vmem_shared>> -> memref<10240x128xf32, #tpu.memory_space<vmem_shared>>
        tpu.wait_indirect_dma semaphore(%run_scoped3A : memref<!tpu.dma_semaphore, #tpu.memory_space<semaphore_mem>>) src(%arg10 : memref<128x128xf32, #tpu.memory_space<vmem>>) dst(%dma_wait3A_76 : memref<10240x128xf32, #tpu.memory_space<vmem_shared>>)
        tpu.yield
      }) : () -> ()
    }
    %scan3A_28 = arith.constant 20 : i32
    %barrier3A_29 = arith.constant 0 : index
    tpu.barrier barrier_id(%barrier3A_29)
    %mul3A_30 = arith.constant 640 : i32
    %mul3A_31 = arith.muli %arg1, %mul3A_30 : i32
    %mul3A_32 = arith.constant 640 : i32
    %mul3A_33 = arith.muli %arg1, %mul3A_32 : i32
    "tpu.region"() ({
      %run_scoped3A = tpu.sem_alloc : memref<!tpu.dma_semaphore, #tpu.memory_space<semaphore_mem>>
      %dma_start3A_34 = arith.constant 0 : i32
      %dma_start3A_35 = tpu.memref_slice %arg6[%arg0, %mul3A_33, %dma_start3A_34] : memref<2x10240x128xf32, #tpu.memory_space<hbm>> -> memref<1x640x128xf32, #tpu.memory_space<hbm>>
      %dma_start3A_36 = tpu.memref_squeeze %dma_start3A_35 : memref<1x640x128xf32, #tpu.memory_space<hbm>> -> memref<640x128xf32, #tpu.memory_space<hbm>>
      %dma_start3A_37 = arith.constant 0 : i32
      %dma_start3A_38 = tpu.memref_slice %arg11[%mul3A_31, %dma_start3A_37] : memref<10240x128xf32, #tpu.memory_space<vmem_shared>> -> memref<640x128xf32, #tpu.memory_space<vmem_shared>>
      tpu.enqueue_dma source(%dma_start3A_38 : memref<640x128xf32, #tpu.memory_space<vmem_shared>>) target(%dma_start3A_36 : memref<640x128xf32, #tpu.memory_space<hbm>>) target_semaphore(%run_scoped3A : memref<!tpu.dma_semaphore, #tpu.memory_space<semaphore_mem>>)
      %dma_wait3A = arith.constant 0 : i32
      %dma_wait3A_39 = tpu.memref_slice %arg6[%arg0, %mul3A_33, %dma_wait3A] : memref<2x10240x128xf32, #tpu.memory_space<hbm>> -> memref<1x640x128xf32, #tpu.memory_space<hbm>>
      %dma_wait3A_40 = tpu.memref_squeeze %dma_wait3A_39 : memref<1x640x128xf32, #tpu.memory_space<hbm>> -> memref<640x128xf32, #tpu.memory_space<hbm>>
      %dma_wait3A_41 = arith.constant 0 : i32
      %dma_wait3A_42 = tpu.memref_slice %arg11[%mul3A_31, %dma_wait3A_41] : memref<10240x128xf32, #tpu.memory_space<vmem_shared>> -> memref<640x128xf32, #tpu.memory_space<vmem_shared>>
      tpu.wait_dma2 semaphore(%run_scoped3A : memref<!tpu.dma_semaphore, #tpu.memory_space<semaphore_mem>>) src(%dma_wait3A_42 : memref<640x128xf32, #tpu.memory_space<vmem_shared>>) dst(%dma_wait3A_40 : memref<640x128xf32, #tpu.memory_space<hbm>>)
      tpu.yield
    }) : () -> ()
    return
  }
}

#map = affine_map<(d0, d1) -> (0, 0, 0)>
#map1 = affine_map<(d0, d1) -> (0, 0)>
module attributes {stable_mosaic.version = 14 : i64} {
  func.func @_deg_body(%arg0: i32, %arg1: i32, %arg2: memref<32x80x128xi32, #tpu.memory_space<hbm>>, %arg3: memref<2x10240xf32, #tpu.memory_space<hbm>>, %arg4: memref<80x128xi32, #tpu.memory_space<vmem>>, %arg5: memref<128xf32, #tpu.memory_space<vmem>>, %arg6: memref<640xf32, #tpu.memory_space<vmem>>, %arg7: memref<10240xf32, #tpu.memory_space<vmem_shared>>) attributes {dimension_semantics = [#tpu.dimension_semantics<core_parallel>, #tpu.dimension_semantics<subcore_parallel>], iteration_bounds = array<i64: 2, 16>, scalar_prefetch = 0 : i64, scratch_operands = 4 : i64, tpu.core_type = #tpu.core_type<sc_vector_subcore>, window_params = [{transform_indices = #map}, {transform_indices = #map1}]} {
    %mul3A = arith.constant 16 : i32
    %mul3A_0 = arith.muli %arg0, %mul3A : i32
    %add3A = arith.addi %mul3A_0, %arg1 : i32
    %scan3A = arith.constant 0 : i32
    %scan3A_1 = arith.constant 0 : i32
    %scan3A_2 = arith.constant 40 : i32
    %scan3A_3 = arith.addi %scan3A_1, %scan3A_2 : i32
    %scan3A_4 = arith.constant 1 : i32
    scf.for %scan3A_25 = %scan3A_1 to %scan3A_3 step %scan3A_4  : i32 {
      %broadcast_in_dim3A = arith.constant 0.000000e+00 : f32
      %broadcast_in_dim3A_26 = vector.broadcast %broadcast_in_dim3A : f32 to vector<16xf32>
      %mul3A_27 = arith.constant 16 : i32
      %mul3A_28 = arith.muli %scan3A_25, %mul3A_27 : i32
      %swap3A = arith.index_cast %mul3A_28 : i32 to index
      %swap3A_29 = tpu.vector_load %arg6[%swap3A] {strides = array<i32>} : memref<640xf32, #tpu.memory_space<vmem>>, vector<16xf32>,
      %swap3A_30 = vector.shape_cast %swap3A_29 : vector<16xf32> to vector<16xf32>
      %swap3A_31 = vector.shape_cast %broadcast_in_dim3A_26 : vector<16xf32> to vector<16xf32>
      tpu.vector_store %arg6[%swap3A], %swap3A_31 {strides = array<i32>} : memref<640xf32, #tpu.memory_space<vmem>>, vector<16xf32>,
    }
    %scan3A_5 = arith.constant 40 : i32
    %scan3A_6 = arith.constant 0 : i32
    %scan3A_7 = arith.constant 0 : i32
    %scan3A_8 = arith.constant 8 : i32
    %scan3A_9 = arith.addi %scan3A_7, %scan3A_8 : i32
    %scan3A_10 = arith.constant 1 : i32
    scf.for %scan3A_25 = %scan3A_7 to %scan3A_9 step %scan3A_10  : i32 {
      %broadcast_in_dim3A = arith.constant 1.000000e+00 : f32
      %broadcast_in_dim3A_26 = vector.broadcast %broadcast_in_dim3A : f32 to vector<16xf32>
      %mul3A_27 = arith.constant 16 : i32
      %mul3A_28 = arith.muli %scan3A_25, %mul3A_27 : i32
      %swap3A = arith.index_cast %mul3A_28 : i32 to index
      %swap3A_29 = tpu.vector_load %arg5[%swap3A] {strides = array<i32>} : memref<128xf32, #tpu.memory_space<vmem>>, vector<16xf32>,
      %swap3A_30 = vector.shape_cast %swap3A_29 : vector<16xf32> to vector<16xf32>
      %swap3A_31 = vector.shape_cast %broadcast_in_dim3A_26 : vector<16xf32> to vector<16xf32>
      tpu.vector_store %arg5[%swap3A], %swap3A_31 {strides = array<i32>} : memref<128xf32, #tpu.memory_space<vmem>>, vector<16xf32>,
    }
    %scan3A_11 = arith.constant 8 : i32
    %mul3A_12 = arith.constant 640 : i32
    %mul3A_13 = arith.muli %arg1, %mul3A_12 : i32
    "tpu.region"() ({
      %run_scoped3A = tpu.sem_alloc : memref<!tpu.dma_semaphore, #tpu.memory_space<semaphore_mem>>
      %dma_start3A = tpu.memref_slice %arg7[%mul3A_13] : memref<10240xf32, #tpu.memory_space<vmem_shared>> -> memref<640xf32, #tpu.memory_space<vmem_shared>>
      %dma_start3A_25 = tpu.memref_slice %arg7[%mul3A_13] : memref<10240xf32, #tpu.memory_space<vmem_shared>> -> memref<640xf32, #tpu.memory_space<vmem_shared>>
      tpu.enqueue_dma source(%arg6 : memref<640xf32, #tpu.memory_space<vmem>>) target(%dma_start3A_25 : memref<640xf32, #tpu.memory_space<vmem_shared>>) target_semaphore(%run_scoped3A : memref<!tpu.dma_semaphore, #tpu.memory_space<semaphore_mem>>)
      %dma_wait3A = tpu.memref_slice %arg7[%mul3A_13] : memref<10240xf32, #tpu.memory_space<vmem_shared>> -> memref<640xf32, #tpu.memory_space<vmem_shared>>
      %dma_wait3A_26 = tpu.memref_slice %arg7[%mul3A_13] : memref<10240xf32, #tpu.memory_space<vmem_shared>> -> memref<640xf32, #tpu.memory_space<vmem_shared>>
      tpu.wait_dma2 semaphore(%run_scoped3A : memref<!tpu.dma_semaphore, #tpu.memory_space<semaphore_mem>>) src(%arg6 : memref<640xf32, #tpu.memory_space<vmem>>) dst(%dma_wait3A_26 : memref<640xf32, #tpu.memory_space<vmem_shared>>)
      tpu.yield
    }) : () -> ()
    "tpu.region"() ({
      %run_scoped3A = tpu.sem_alloc : memref<!tpu.dma_semaphore, #tpu.memory_space<semaphore_mem>>
      %dma_start3A = arith.constant 0 : i32
      %dma_start3A_25 = arith.constant 0 : i32
      %dma_start3A_26 = tpu.memref_slice %arg2[%add3A, %dma_start3A, %dma_start3A_25] : memref<32x80x128xi32, #tpu.memory_space<hbm>> -> memref<1x80x128xi32, #tpu.memory_space<hbm>>
      %dma_start3A_27 = tpu.memref_squeeze %dma_start3A_26 : memref<1x80x128xi32, #tpu.memory_space<hbm>> -> memref<80x128xi32, #tpu.memory_space<hbm>>
      %dma_start3A_28 = arith.constant 0 : i32
      %dma_start3A_29 = arith.constant 0 : i32
      %dma_start3A_30 = tpu.memref_slice %arg2[%add3A, %dma_start3A_28, %dma_start3A_29] : memref<32x80x128xi32, #tpu.memory_space<hbm>> -> memref<1x80x128xi32, #tpu.memory_space<hbm>>
      %dma_start3A_31 = tpu.memref_squeeze %dma_start3A_30 : memref<1x80x128xi32, #tpu.memory_space<hbm>> -> memref<80x128xi32, #tpu.memory_space<hbm>>
      tpu.enqueue_dma source(%dma_start3A_31 : memref<80x128xi32, #tpu.memory_space<hbm>>) target(%arg4 : memref<80x128xi32, #tpu.memory_space<vmem>>) target_semaphore(%run_scoped3A : memref<!tpu.dma_semaphore, #tpu.memory_space<semaphore_mem>>)
      %dma_wait3A = arith.constant 0 : i32
      %dma_wait3A_32 = arith.constant 0 : i32
      %dma_wait3A_33 = tpu.memref_slice %arg2[%add3A, %dma_wait3A, %dma_wait3A_32] : memref<32x80x128xi32, #tpu.memory_space<hbm>> -> memref<1x80x128xi32, #tpu.memory_space<hbm>>
      %dma_wait3A_34 = tpu.memref_squeeze %dma_wait3A_33 : memref<1x80x128xi32, #tpu.memory_space<hbm>> -> memref<80x128xi32, #tpu.memory_space<hbm>>
      %dma_wait3A_35 = arith.constant 0 : i32
      %dma_wait3A_36 = arith.constant 0 : i32
      %dma_wait3A_37 = tpu.memref_slice %arg2[%add3A, %dma_wait3A_35, %dma_wait3A_36] : memref<32x80x128xi32, #tpu.memory_space<hbm>> -> memref<1x80x128xi32, #tpu.memory_space<hbm>>
      %dma_wait3A_38 = tpu.memref_squeeze %dma_wait3A_37 : memref<1x80x128xi32, #tpu.memory_space<hbm>> -> memref<80x128xi32, #tpu.memory_space<hbm>>
      tpu.wait_dma2 semaphore(%run_scoped3A : memref<!tpu.dma_semaphore, #tpu.memory_space<semaphore_mem>>) src(%dma_wait3A_38 : memref<80x128xi32, #tpu.memory_space<hbm>>) dst(%arg4 : memref<80x128xi32, #tpu.memory_space<vmem>>)
      tpu.yield
    }) : () -> ()
    %barrier3A = arith.constant 0 : index
    tpu.barrier barrier_id(%barrier3A)
    %scan3A_14 = arith.constant 0 : i32
    %scan3A_15 = arith.constant 0 : i32
    %scan3A_16 = arith.constant 80 : i32
    %scan3A_17 = arith.addi %scan3A_15, %scan3A_16 : i32
    %scan3A_18 = arith.constant 1 : i32
    scf.for %scan3A_25 = %scan3A_15 to %scan3A_17 step %scan3A_18  : i32 {
      "tpu.region"() ({
        %run_scoped3A = tpu.sem_alloc : memref<!tpu.dma_semaphore, #tpu.memory_space<semaphore_mem>>
        %dma_start3A = arith.constant 0 : i32
        %dma_start3A_26 = tpu.memref_slice %arg4[%scan3A_25, %dma_start3A] : memref<80x128xi32, #tpu.memory_space<vmem>> -> memref<1x128xi32, #tpu.memory_space<vmem>>
        %dma_start3A_27 = tpu.memref_squeeze %dma_start3A_26 : memref<1x128xi32, #tpu.memory_space<vmem>> -> memref<128xi32, #tpu.memory_space<vmem>>
        %dma_start3A_28 = arith.constant 0 : i32
        %dma_start3A_29 = tpu.memref_slice %arg7[%dma_start3A_28] : memref<10240xf32, #tpu.memory_space<vmem_shared>> -> memref<10240xf32, #tpu.memory_space<vmem_shared>>
        tpu.enqueue_indirect_dma source(%arg5 : memref<128xf32, #tpu.memory_space<vmem>>) target(%dma_start3A_29 : memref<10240xf32, #tpu.memory_space<vmem_shared>>) offsets(%dma_start3A_27 : memref<128xi32, #tpu.memory_space<vmem>>) semaphore(%run_scoped3A : memref<!tpu.dma_semaphore, #tpu.memory_space<semaphore_mem>>) {add = true}
        %dma_wait3A = arith.constant 0 : i32
        %dma_wait3A_30 = tpu.memref_slice %arg4[%scan3A_25, %dma_wait3A] : memref<80x128xi32, #tpu.memory_space<vmem>> -> memref<1x128xi32, #tpu.memory_space<vmem>>
        %dma_wait3A_31 = tpu.memref_squeeze %dma_wait3A_30 : memref<1x128xi32, #tpu.memory_space<vmem>> -> memref<128xi32, #tpu.memory_space<vmem>>
        %dma_wait3A_32 = arith.constant 0 : i32
        %dma_wait3A_33 = tpu.memref_slice %arg7[%dma_wait3A_32] : memref<10240xf32, #tpu.memory_space<vmem_shared>> -> memref<10240xf32, #tpu.memory_space<vmem_shared>>
        tpu.wait_indirect_dma semaphore(%run_scoped3A : memref<!tpu.dma_semaphore, #tpu.memory_space<semaphore_mem>>) src(%arg5 : memref<128xf32, #tpu.memory_space<vmem>>) dst(%dma_wait3A_33 : memref<10240xf32, #tpu.memory_space<vmem_shared>>)
        tpu.yield
      }) : () -> ()
    }
    %scan3A_19 = arith.constant 80 : i32
    %barrier3A_20 = arith.constant 0 : index
    tpu.barrier barrier_id(%barrier3A_20)
    %mul3A_21 = arith.constant 640 : i32
    %mul3A_22 = arith.muli %arg1, %mul3A_21 : i32
    %mul3A_23 = arith.constant 640 : i32
    %mul3A_24 = arith.muli %arg1, %mul3A_23 : i32
    "tpu.region"() ({
      %run_scoped3A = tpu.sem_alloc : memref<!tpu.dma_semaphore, #tpu.memory_space<semaphore_mem>>
      %dma_start3A = tpu.memref_slice %arg3[%arg0, %mul3A_24] : memref<2x10240xf32, #tpu.memory_space<hbm>> -> memref<1x640xf32, #tpu.memory_space<hbm>>
      %dma_start3A_25 = tpu.memref_squeeze %dma_start3A : memref<1x640xf32, #tpu.memory_space<hbm>> -> memref<640xf32, #tpu.memory_space<hbm>>
      %dma_start3A_26 = tpu.memref_slice %arg7[%mul3A_22] : memref<10240xf32, #tpu.memory_space<vmem_shared>> -> memref<640xf32, #tpu.memory_space<vmem_shared>>
      tpu.enqueue_dma source(%dma_start3A_26 : memref<640xf32, #tpu.memory_space<vmem_shared>>) target(%dma_start3A_25 : memref<640xf32, #tpu.memory_space<hbm>>) target_semaphore(%run_scoped3A : memref<!tpu.dma_semaphore, #tpu.memory_space<semaphore_mem>>)
      %dma_wait3A = tpu.memref_slice %arg3[%arg0, %mul3A_24] : memref<2x10240xf32, #tpu.memory_space<hbm>> -> memref<1x640xf32, #tpu.memory_space<hbm>>
      %dma_wait3A_27 = tpu.memref_squeeze %dma_wait3A : memref<1x640xf32, #tpu.memory_space<hbm>> -> memref<640xf32, #tpu.memory_space<hbm>>
      %dma_wait3A_28 = tpu.memref_slice %arg7[%mul3A_22] : memref<10240xf32, #tpu.memory_space<vmem_shared>> -> memref<640xf32, #tpu.memory_space<vmem_shared>>
      tpu.wait_dma2 semaphore(%run_scoped3A : memref<!tpu.dma_semaphore, #tpu.memory_space<semaphore_mem>>) src(%dma_wait3A_28 : memref<640xf32, #tpu.memory_space<vmem_shared>>) dst(%dma_wait3A_27 : memref<640xf32, #tpu.memory_space<hbm>>)
      tpu.yield
    }) : () -> ()
    return
  }
}

#map = affine_map<(d0, d1) -> (0, 0)>
#map1 = affine_map<(d0, d1) -> (0, 0, 0)>
module attributes {stable_mosaic.version = 14 : i64} {
  func.func @_msg_body(%arg0: i32, %arg1: i32, %arg2: memref<10240x128xf32, #tpu.memory_space<hbm>>, %arg3: memref<32x80x128xi32, #tpu.memory_space<hbm>>, %arg4: memref<32x80x128xi32, #tpu.memory_space<hbm>>, %arg5: memref<10240x128xf32, #tpu.memory_space<hbm>>, %arg6: memref<2x10240x128xf32, #tpu.memory_space<hbm>>, %arg7: memref<40x128xi32, #tpu.memory_space<vmem>>, %arg8: memref<40x128xi32, #tpu.memory_space<vmem>>, %arg9: memref<128x128xf32, #tpu.memory_space<vmem>>, %arg10: memref<128x128xf32, #tpu.memory_space<vmem>>, %arg11: memref<10240x128xf32, #tpu.memory_space<vmem_shared>>, %arg12: memref<!tpu.dma_semaphore, #tpu.memory_space<semaphore_mem>>, %arg13: memref<!tpu.dma_semaphore, #tpu.memory_space<semaphore_mem>>) attributes {dimension_semantics = [#tpu.dimension_semantics<core_parallel>, #tpu.dimension_semantics<subcore_parallel>], iteration_bounds = array<i64: 2, 16>, scalar_prefetch = 0 : i64, scratch_operands = 7 : i64, tpu.core_type = #tpu.core_type<sc_vector_subcore>, window_params = [{transform_indices = #map}, {transform_indices = #map1}, {transform_indices = #map1}, {transform_indices = #map}, {transform_indices = #map1}]} {
    %mul3A = arith.constant 16 : i32
    %mul3A_0 = arith.muli %arg0, %mul3A : i32
    %add3A = arith.addi %mul3A_0, %arg1 : i32
    %mul3A_1 = arith.constant 640 : i32
    %mul3A_2 = arith.muli %arg1, %mul3A_1 : i32
    %mul3A_3 = arith.constant 640 : i32
    %mul3A_4 = arith.muli %arg1, %mul3A_3 : i32
    "tpu.region"() ({
      %run_scoped3A = tpu.sem_alloc : memref<!tpu.dma_semaphore, #tpu.memory_space<semaphore_mem>>
      %dma_start3A_34 = arith.constant 0 : i32
      %dma_start3A_35 = tpu.memref_slice %arg11[%mul3A_4, %dma_start3A_34] : memref<10240x128xf32, #tpu.memory_space<vmem_shared>> -> memref<640x128xf32, #tpu.memory_space<vmem_shared>>
      %dma_start3A_36 = arith.constant 0 : i32
      %dma_start3A_37 = tpu.memref_slice %arg5[%mul3A_2, %dma_start3A_36] : memref<10240x128xf32, #tpu.memory_space<hbm>> -> memref<640x128xf32, #tpu.memory_space<hbm>>
      tpu.enqueue_dma source(%dma_start3A_37 : memref<640x128xf32, #tpu.memory_space<hbm>>) target(%dma_start3A_35 : memref<640x128xf32, #tpu.memory_space<vmem_shared>>) target_semaphore(%run_scoped3A : memref<!tpu.dma_semaphore, #tpu.memory_space<semaphore_mem>>)
      %dma_wait3A = arith.constant 0 : i32
      %dma_wait3A_38 = tpu.memref_slice %arg11[%mul3A_4, %dma_wait3A] : memref<10240x128xf32, #tpu.memory_space<vmem_shared>> -> memref<640x128xf32, #tpu.memory_space<vmem_shared>>
      %dma_wait3A_39 = arith.constant 0 : i32
      %dma_wait3A_40 = tpu.memref_slice %arg5[%mul3A_2, %dma_wait3A_39] : memref<10240x128xf32, #tpu.memory_space<hbm>> -> memref<640x128xf32, #tpu.memory_space<hbm>>
      tpu.wait_dma2 semaphore(%run_scoped3A : memref<!tpu.dma_semaphore, #tpu.memory_space<semaphore_mem>>) src(%dma_wait3A_40 : memref<640x128xf32, #tpu.memory_space<hbm>>) dst(%dma_wait3A_38 : memref<640x128xf32, #tpu.memory_space<vmem_shared>>)
      tpu.yield
    }) : () -> ()
    %barrier3A = arith.constant 0 : index
    tpu.barrier barrier_id(%barrier3A)
    "tpu.region"() ({
      %run_scoped3A = tpu.sem_alloc : memref<!tpu.dma_semaphore, #tpu.memory_space<semaphore_mem>>
      %dma_start3A_34 = arith.constant 0 : i32
      %dma_start3A_35 = arith.constant 0 : i32
      %dma_start3A_36 = tpu.memref_slice %arg3[%add3A, %dma_start3A_34, %dma_start3A_35] : memref<32x80x128xi32, #tpu.memory_space<hbm>> -> memref<1x40x128xi32, #tpu.memory_space<hbm>>
      %dma_start3A_37 = tpu.memref_squeeze %dma_start3A_36 : memref<1x40x128xi32, #tpu.memory_space<hbm>> -> memref<40x128xi32, #tpu.memory_space<hbm>>
      %dma_start3A_38 = arith.constant 0 : i32
      %dma_start3A_39 = arith.constant 0 : i32
      %dma_start3A_40 = tpu.memref_slice %arg3[%add3A, %dma_start3A_38, %dma_start3A_39] : memref<32x80x128xi32, #tpu.memory_space<hbm>> -> memref<1x40x128xi32, #tpu.memory_space<hbm>>
      %dma_start3A_41 = tpu.memref_squeeze %dma_start3A_40 : memref<1x40x128xi32, #tpu.memory_space<hbm>> -> memref<40x128xi32, #tpu.memory_space<hbm>>
      tpu.enqueue_dma source(%dma_start3A_41 : memref<40x128xi32, #tpu.memory_space<hbm>>) target(%arg7 : memref<40x128xi32, #tpu.memory_space<vmem>>) target_semaphore(%run_scoped3A : memref<!tpu.dma_semaphore, #tpu.memory_space<semaphore_mem>>)
      %dma_wait3A = arith.constant 0 : i32
      %dma_wait3A_42 = arith.constant 0 : i32
      %dma_wait3A_43 = tpu.memref_slice %arg3[%add3A, %dma_wait3A, %dma_wait3A_42] : memref<32x80x128xi32, #tpu.memory_space<hbm>> -> memref<1x40x128xi32, #tpu.memory_space<hbm>>
      %dma_wait3A_44 = tpu.memref_squeeze %dma_wait3A_43 : memref<1x40x128xi32, #tpu.memory_space<hbm>> -> memref<40x128xi32, #tpu.memory_space<hbm>>
      %dma_wait3A_45 = arith.constant 0 : i32
      %dma_wait3A_46 = arith.constant 0 : i32
      %dma_wait3A_47 = tpu.memref_slice %arg3[%add3A, %dma_wait3A_45, %dma_wait3A_46] : memref<32x80x128xi32, #tpu.memory_space<hbm>> -> memref<1x40x128xi32, #tpu.memory_space<hbm>>
      %dma_wait3A_48 = tpu.memref_squeeze %dma_wait3A_47 : memref<1x40x128xi32, #tpu.memory_space<hbm>> -> memref<40x128xi32, #tpu.memory_space<hbm>>
      tpu.wait_dma2 semaphore(%run_scoped3A : memref<!tpu.dma_semaphore, #tpu.memory_space<semaphore_mem>>) src(%dma_wait3A_48 : memref<40x128xi32, #tpu.memory_space<hbm>>) dst(%arg7 : memref<40x128xi32, #tpu.memory_space<vmem>>)
      tpu.yield
    }) : () -> ()
    "tpu.region"() ({
      %run_scoped3A = tpu.sem_alloc : memref<!tpu.dma_semaphore, #tpu.memory_space<semaphore_mem>>
      %dma_start3A_34 = arith.constant 0 : i32
      %dma_start3A_35 = arith.constant 0 : i32
      %dma_start3A_36 = tpu.memref_slice %arg4[%add3A, %dma_start3A_34, %dma_start3A_35] : memref<32x80x128xi32, #tpu.memory_space<hbm>> -> memref<1x40x128xi32, #tpu.memory_space<hbm>>
      %dma_start3A_37 = tpu.memref_squeeze %dma_start3A_36 : memref<1x40x128xi32, #tpu.memory_space<hbm>> -> memref<40x128xi32, #tpu.memory_space<hbm>>
      %dma_start3A_38 = arith.constant 0 : i32
      %dma_start3A_39 = arith.constant 0 : i32
      %dma_start3A_40 = tpu.memref_slice %arg4[%add3A, %dma_start3A_38, %dma_start3A_39] : memref<32x80x128xi32, #tpu.memory_space<hbm>> -> memref<1x40x128xi32, #tpu.memory_space<hbm>>
      %dma_start3A_41 = tpu.memref_squeeze %dma_start3A_40 : memref<1x40x128xi32, #tpu.memory_space<hbm>> -> memref<40x128xi32, #tpu.memory_space<hbm>>
      tpu.enqueue_dma source(%dma_start3A_41 : memref<40x128xi32, #tpu.memory_space<hbm>>) target(%arg8 : memref<40x128xi32, #tpu.memory_space<vmem>>) target_semaphore(%run_scoped3A : memref<!tpu.dma_semaphore, #tpu.memory_space<semaphore_mem>>)
      %dma_wait3A = arith.constant 0 : i32
      %dma_wait3A_42 = arith.constant 0 : i32
      %dma_wait3A_43 = tpu.memref_slice %arg4[%add3A, %dma_wait3A, %dma_wait3A_42] : memref<32x80x128xi32, #tpu.memory_space<hbm>> -> memref<1x40x128xi32, #tpu.memory_space<hbm>>
      %dma_wait3A_44 = tpu.memref_squeeze %dma_wait3A_43 : memref<1x40x128xi32, #tpu.memory_space<hbm>> -> memref<40x128xi32, #tpu.memory_space<hbm>>
      %dma_wait3A_45 = arith.constant 0 : i32
      %dma_wait3A_46 = arith.constant 0 : i32
      %dma_wait3A_47 = tpu.memref_slice %arg4[%add3A, %dma_wait3A_45, %dma_wait3A_46] : memref<32x80x128xi32, #tpu.memory_space<hbm>> -> memref<1x40x128xi32, #tpu.memory_space<hbm>>
      %dma_wait3A_48 = tpu.memref_squeeze %dma_wait3A_47 : memref<1x40x128xi32, #tpu.memory_space<hbm>> -> memref<40x128xi32, #tpu.memory_space<hbm>>
      tpu.wait_dma2 semaphore(%run_scoped3A : memref<!tpu.dma_semaphore, #tpu.memory_space<semaphore_mem>>) src(%dma_wait3A_48 : memref<40x128xi32, #tpu.memory_space<hbm>>) dst(%arg8 : memref<40x128xi32, #tpu.memory_space<vmem>>)
      tpu.yield
    }) : () -> ()
    %dma_start3A = arith.constant 0 : i32
    %dma_start3A_5 = arith.constant 0 : i32
    %dma_start3A_6 = tpu.memref_slice %arg7[%dma_start3A, %dma_start3A_5] : memref<40x128xi32, #tpu.memory_space<vmem>> -> memref<1x128xi32, #tpu.memory_space<vmem>>
    %dma_start3A_7 = tpu.memref_squeeze %dma_start3A_6 : memref<1x128xi32, #tpu.memory_space<vmem>> -> memref<128xi32, #tpu.memory_space<vmem>>
    %dma_start3A_8 = arith.constant 0 : i32
    %dma_start3A_9 = arith.constant 0 : i32
    %dma_start3A_10 = tpu.memref_slice %arg2[%dma_start3A_8, %dma_start3A_9] : memref<10240x128xf32, #tpu.memory_space<hbm>> -> memref<10240x128xf32, #tpu.memory_space<hbm>>
    tpu.enqueue_indirect_dma source(%dma_start3A_10 : memref<10240x128xf32, #tpu.memory_space<hbm>>) target(%arg9 : memref<128x128xf32, #tpu.memory_space<vmem>>) offsets(%dma_start3A_7 : memref<128xi32, #tpu.memory_space<vmem>>) semaphore(%arg12 : memref<!tpu.dma_semaphore, #tpu.memory_space<semaphore_mem>>)
    %scan3A = arith.constant 0 : i32
    %scan3A_11 = arith.constant 0 : i32
    %scan3A_12 = arith.constant 20 : i32
    %scan3A_13 = arith.addi %scan3A_11, %scan3A_12 : i32
    %scan3A_14 = arith.constant 1 : i32
    scf.for %scan3A_34 = %scan3A_11 to %scan3A_13 step %scan3A_14  : i32 {
      %mul3A_35 = arith.constant 2 : i32
      %mul3A_36 = arith.muli %scan3A_34, %mul3A_35 : i32
      %add3A_37 = arith.constant 0 : i32
      %add3A_38 = arith.addi %mul3A_36, %add3A_37 : i32
      %add3A_39 = arith.constant 1 : i32
      %add3A_40 = arith.addi %add3A_38, %add3A_39 : i32
      %lt3A = arith.constant 40 : i32
      %lt3A_41 = arith.cmpi slt, %add3A_40, %lt3A : i32
      %convert_element_type3A = arith.extui %lt3A_41 : i1 to i32
      %cond3A = arith.constant 0 : i32
      %cond3A_42 = arith.cmpi ne, %convert_element_type3A, %cond3A : i32
      scf.if %cond3A_42 {
        %add3A_65 = arith.constant 1 : i32
        %add3A_66 = arith.addi %add3A_38, %add3A_65 : i32
        %dma_start3A_67 = arith.constant 0 : i32
        %dma_start3A_68 = tpu.memref_slice %arg7[%add3A_66, %dma_start3A_67] : memref<40x128xi32, #tpu.memory_space<vmem>> -> memref<1x128xi32, #tpu.memory_space<vmem>>
        %dma_start3A_69 = tpu.memref_squeeze %dma_start3A_68 : memref<1x128xi32, #tpu.memory_space<vmem>> -> memref<128xi32, #tpu.memory_space<vmem>>
        %dma_start3A_70 = arith.constant 0 : i32
        %dma_start3A_71 = arith.constant 0 : i32
        %dma_start3A_72 = tpu.memref_slice %arg2[%dma_start3A_70, %dma_start3A_71] : memref<10240x128xf32, #tpu.memory_space<hbm>> -> memref<10240x128xf32, #tpu.memory_space<hbm>>
        tpu.enqueue_indirect_dma source(%dma_start3A_72 : memref<10240x128xf32, #tpu.memory_space<hbm>>) target(%arg10 : memref<128x128xf32, #tpu.memory_space<vmem>>) offsets(%dma_start3A_69 : memref<128xi32, #tpu.memory_space<vmem>>) semaphore(%arg13 : memref<!tpu.dma_semaphore, #tpu.memory_space<semaphore_mem>>)
      } else {
      }
      %dma_wait3A = arith.constant 0 : i32
      %dma_wait3A_43 = arith.constant 0 : i32
      %dma_wait3A_44 = tpu.memref_slice %arg2[%dma_wait3A, %dma_wait3A_43] : memref<10240x128xf32, #tpu.memory_space<hbm>> -> memref<128x128xf32, #tpu.memory_space<hbm>>
      %dma_wait3A_45 = arith.constant 0 : i32
      %dma_wait3A_46 = arith.constant 0 : i32
      %dma_wait3A_47 = tpu.memref_slice %arg2[%dma_wait3A_45, %dma_wait3A_46] : memref<10240x128xf32, #tpu.memory_space<hbm>> -> memref<128x128xf32, #tpu.memory_space<hbm>>
      tpu.wait_dma2 semaphore(%arg12 : memref<!tpu.dma_semaphore, #tpu.memory_space<semaphore_mem>>) src(%dma_wait3A_47 : memref<128x128xf32, #tpu.memory_space<hbm>>) dst(%arg9 : memref<128x128xf32, #tpu.memory_space<vmem>>)
      "tpu.region"() ({
        %run_scoped3A = tpu.sem_alloc : memref<!tpu.dma_semaphore, #tpu.memory_space<semaphore_mem>>
        %dma_start3A_65 = arith.constant 0 : i32
        %dma_start3A_66 = tpu.memref_slice %arg8[%add3A_38, %dma_start3A_65] : memref<40x128xi32, #tpu.memory_space<vmem>> -> memref<1x128xi32, #tpu.memory_space<vmem>>
        %dma_start3A_67 = tpu.memref_squeeze %dma_start3A_66 : memref<1x128xi32, #tpu.memory_space<vmem>> -> memref<128xi32, #tpu.memory_space<vmem>>
        %dma_start3A_68 = arith.constant 0 : i32
        %dma_start3A_69 = arith.constant 0 : i32
        %dma_start3A_70 = tpu.memref_slice %arg11[%dma_start3A_68, %dma_start3A_69] : memref<10240x128xf32, #tpu.memory_space<vmem_shared>> -> memref<10240x128xf32, #tpu.memory_space<vmem_shared>>
        tpu.enqueue_indirect_dma source(%arg9 : memref<128x128xf32, #tpu.memory_space<vmem>>) target(%dma_start3A_70 : memref<10240x128xf32, #tpu.memory_space<vmem_shared>>) offsets(%dma_start3A_67 : memref<128xi32, #tpu.memory_space<vmem>>) semaphore(%run_scoped3A : memref<!tpu.dma_semaphore, #tpu.memory_space<semaphore_mem>>) {add = true}
        %dma_wait3A_71 = arith.constant 0 : i32
        %dma_wait3A_72 = tpu.memref_slice %arg8[%add3A_38, %dma_wait3A_71] : memref<40x128xi32, #tpu.memory_space<vmem>> -> memref<1x128xi32, #tpu.memory_space<vmem>>
        %dma_wait3A_73 = tpu.memref_squeeze %dma_wait3A_72 : memref<1x128xi32, #tpu.memory_space<vmem>> -> memref<128xi32, #tpu.memory_space<vmem>>
        %dma_wait3A_74 = arith.constant 0 : i32
        %dma_wait3A_75 = arith.constant 0 : i32
        %dma_wait3A_76 = tpu.memref_slice %arg11[%dma_wait3A_74, %dma_wait3A_75] : memref<10240x128xf32, #tpu.memory_space<vmem_shared>> -> memref<10240x128xf32, #tpu.memory_space<vmem_shared>>
        tpu.wait_indirect_dma semaphore(%run_scoped3A : memref<!tpu.dma_semaphore, #tpu.memory_space<semaphore_mem>>) src(%arg9 : memref<128x128xf32, #tpu.memory_space<vmem>>) dst(%dma_wait3A_76 : memref<10240x128xf32, #tpu.memory_space<vmem_shared>>)
        tpu.yield
      }) : () -> ()
      %mul3A_48 = arith.constant 2 : i32
      %mul3A_49 = arith.muli %scan3A_34, %mul3A_48 : i32
      %add3A_50 = arith.constant 1 : i32
      %add3A_51 = arith.addi %mul3A_49, %add3A_50 : i32
      %add3A_52 = arith.constant 1 : i32
      %add3A_53 = arith.addi %add3A_51, %add3A_52 : i32
      %lt3A_54 = arith.constant 40 : i32
      %lt3A_55 = arith.cmpi slt, %add3A_53, %lt3A_54 : i32
      %convert_element_type3A_56 = arith.extui %lt3A_55 : i1 to i32
      %cond3A_57 = arith.constant 0 : i32
      %cond3A_58 = arith.cmpi ne, %convert_element_type3A_56, %cond3A_57 : i32
      scf.if %cond3A_58 {
        %add3A_65 = arith.constant 1 : i32
        %add3A_66 = arith.addi %add3A_51, %add3A_65 : i32
        %dma_start3A_67 = arith.constant 0 : i32
        %dma_start3A_68 = tpu.memref_slice %arg7[%add3A_66, %dma_start3A_67] : memref<40x128xi32, #tpu.memory_space<vmem>> -> memref<1x128xi32, #tpu.memory_space<vmem>>
        %dma_start3A_69 = tpu.memref_squeeze %dma_start3A_68 : memref<1x128xi32, #tpu.memory_space<vmem>> -> memref<128xi32, #tpu.memory_space<vmem>>
        %dma_start3A_70 = arith.constant 0 : i32
        %dma_start3A_71 = arith.constant 0 : i32
        %dma_start3A_72 = tpu.memref_slice %arg2[%dma_start3A_70, %dma_start3A_71] : memref<10240x128xf32, #tpu.memory_space<hbm>> -> memref<10240x128xf32, #tpu.memory_space<hbm>>
        tpu.enqueue_indirect_dma source(%dma_start3A_72 : memref<10240x128xf32, #tpu.memory_space<hbm>>) target(%arg9 : memref<128x128xf32, #tpu.memory_space<vmem>>) offsets(%dma_start3A_69 : memref<128xi32, #tpu.memory_space<vmem>>) semaphore(%arg12 : memref<!tpu.dma_semaphore, #tpu.memory_space<semaphore_mem>>)
      } else {
      }
      %dma_wait3A_59 = arith.constant 0 : i32
      %dma_wait3A_60 = arith.constant 0 : i32
      %dma_wait3A_61 = tpu.memref_slice %arg2[%dma_wait3A_59, %dma_wait3A_60] : memref<10240x128xf32, #tpu.memory_space<hbm>> -> memref<128x128xf32, #tpu.memory_space<hbm>>
      %dma_wait3A_62 = arith.constant 0 : i32
      %dma_wait3A_63 = arith.constant 0 : i32
      %dma_wait3A_64 = tpu.memref_slice %arg2[%dma_wait3A_62, %dma_wait3A_63] : memref<10240x128xf32, #tpu.memory_space<hbm>> -> memref<128x128xf32, #tpu.memory_space<hbm>>
      tpu.wait_dma2 semaphore(%arg13 : memref<!tpu.dma_semaphore, #tpu.memory_space<semaphore_mem>>) src(%dma_wait3A_64 : memref<128x128xf32, #tpu.memory_space<hbm>>) dst(%arg10 : memref<128x128xf32, #tpu.memory_space<vmem>>)
      "tpu.region"() ({
        %run_scoped3A = tpu.sem_alloc : memref<!tpu.dma_semaphore, #tpu.memory_space<semaphore_mem>>
        %dma_start3A_65 = arith.constant 0 : i32
        %dma_start3A_66 = tpu.memref_slice %arg8[%add3A_51, %dma_start3A_65] : memref<40x128xi32, #tpu.memory_space<vmem>> -> memref<1x128xi32, #tpu.memory_space<vmem>>
        %dma_start3A_67 = tpu.memref_squeeze %dma_start3A_66 : memref<1x128xi32, #tpu.memory_space<vmem>> -> memref<128xi32, #tpu.memory_space<vmem>>
        %dma_start3A_68 = arith.constant 0 : i32
        %dma_start3A_69 = arith.constant 0 : i32
        %dma_start3A_70 = tpu.memref_slice %arg11[%dma_start3A_68, %dma_start3A_69] : memref<10240x128xf32, #tpu.memory_space<vmem_shared>> -> memref<10240x128xf32, #tpu.memory_space<vmem_shared>>
        tpu.enqueue_indirect_dma source(%arg10 : memref<128x128xf32, #tpu.memory_space<vmem>>) target(%dma_start3A_70 : memref<10240x128xf32, #tpu.memory_space<vmem_shared>>) offsets(%dma_start3A_67 : memref<128xi32, #tpu.memory_space<vmem>>) semaphore(%run_scoped3A : memref<!tpu.dma_semaphore, #tpu.memory_space<semaphore_mem>>) {add = true}
        %dma_wait3A_71 = arith.constant 0 : i32
        %dma_wait3A_72 = tpu.memref_slice %arg8[%add3A_51, %dma_wait3A_71] : memref<40x128xi32, #tpu.memory_space<vmem>> -> memref<1x128xi32, #tpu.memory_space<vmem>>
        %dma_wait3A_73 = tpu.memref_squeeze %dma_wait3A_72 : memref<1x128xi32, #tpu.memory_space<vmem>> -> memref<128xi32, #tpu.memory_space<vmem>>
        %dma_wait3A_74 = arith.constant 0 : i32
        %dma_wait3A_75 = arith.constant 0 : i32
        %dma_wait3A_76 = tpu.memref_slice %arg11[%dma_wait3A_74, %dma_wait3A_75] : memref<10240x128xf32, #tpu.memory_space<vmem_shared>> -> memref<10240x128xf32, #tpu.memory_space<vmem_shared>>
        tpu.wait_indirect_dma semaphore(%run_scoped3A : memref<!tpu.dma_semaphore, #tpu.memory_space<semaphore_mem>>) src(%arg10 : memref<128x128xf32, #tpu.memory_space<vmem>>) dst(%dma_wait3A_76 : memref<10240x128xf32, #tpu.memory_space<vmem_shared>>)
        tpu.yield
      }) : () -> ()
    }
    %scan3A_15 = arith.constant 20 : i32
    "tpu.region"() ({
      %run_scoped3A = tpu.sem_alloc : memref<!tpu.dma_semaphore, #tpu.memory_space<semaphore_mem>>
      %dma_start3A_34 = arith.constant 40 : i32
      %dma_start3A_35 = arith.constant 0 : i32
      %dma_start3A_36 = tpu.memref_slice %arg3[%add3A, %dma_start3A_34, %dma_start3A_35] : memref<32x80x128xi32, #tpu.memory_space<hbm>> -> memref<1x40x128xi32, #tpu.memory_space<hbm>>
      %dma_start3A_37 = tpu.memref_squeeze %dma_start3A_36 : memref<1x40x128xi32, #tpu.memory_space<hbm>> -> memref<40x128xi32, #tpu.memory_space<hbm>>
      %dma_start3A_38 = arith.constant 40 : i32
      %dma_start3A_39 = arith.constant 0 : i32
      %dma_start3A_40 = tpu.memref_slice %arg3[%add3A, %dma_start3A_38, %dma_start3A_39] : memref<32x80x128xi32, #tpu.memory_space<hbm>> -> memref<1x40x128xi32, #tpu.memory_space<hbm>>
      %dma_start3A_41 = tpu.memref_squeeze %dma_start3A_40 : memref<1x40x128xi32, #tpu.memory_space<hbm>> -> memref<40x128xi32, #tpu.memory_space<hbm>>
      tpu.enqueue_dma source(%dma_start3A_41 : memref<40x128xi32, #tpu.memory_space<hbm>>) target(%arg7 : memref<40x128xi32, #tpu.memory_space<vmem>>) target_semaphore(%run_scoped3A : memref<!tpu.dma_semaphore, #tpu.memory_space<semaphore_mem>>)
      %dma_wait3A = arith.constant 40 : i32
      %dma_wait3A_42 = arith.constant 0 : i32
      %dma_wait3A_43 = tpu.memref_slice %arg3[%add3A, %dma_wait3A, %dma_wait3A_42] : memref<32x80x128xi32, #tpu.memory_space<hbm>> -> memref<1x40x128xi32, #tpu.memory_space<hbm>>
      %dma_wait3A_44 = tpu.memref_squeeze %dma_wait3A_43 : memref<1x40x128xi32, #tpu.memory_space<hbm>> -> memref<40x128xi32, #tpu.memory_space<hbm>>
      %dma_wait3A_45 = arith.constant 40 : i32
      %dma_wait3A_46 = arith.constant 0 : i32
      %dma_wait3A_47 = tpu.memref_slice %arg3[%add3A, %dma_wait3A_45, %dma_wait3A_46] : memref<32x80x128xi32, #tpu.memory_space<hbm>> -> memref<1x40x128xi32, #tpu.memory_space<hbm>>
      %dma_wait3A_48 = tpu.memref_squeeze %dma_wait3A_47 : memref<1x40x128xi32, #tpu.memory_space<hbm>> -> memref<40x128xi32, #tpu.memory_space<hbm>>
      tpu.wait_dma2 semaphore(%run_scoped3A : memref<!tpu.dma_semaphore, #tpu.memory_space<semaphore_mem>>) src(%dma_wait3A_48 : memref<40x128xi32, #tpu.memory_space<hbm>>) dst(%arg7 : memref<40x128xi32, #tpu.memory_space<vmem>>)
      tpu.yield
    }) : () -> ()
    "tpu.region"() ({
      %run_scoped3A = tpu.sem_alloc : memref<!tpu.dma_semaphore, #tpu.memory_space<semaphore_mem>>
      %dma_start3A_34 = arith.constant 40 : i32
      %dma_start3A_35 = arith.constant 0 : i32
      %dma_start3A_36 = tpu.memref_slice %arg4[%add3A, %dma_start3A_34, %dma_start3A_35] : memref<32x80x128xi32, #tpu.memory_space<hbm>> -> memref<1x40x128xi32, #tpu.memory_space<hbm>>
      %dma_start3A_37 = tpu.memref_squeeze %dma_start3A_36 : memref<1x40x128xi32, #tpu.memory_space<hbm>> -> memref<40x128xi32, #tpu.memory_space<hbm>>
      %dma_start3A_38 = arith.constant 40 : i32
      %dma_start3A_39 = arith.constant 0 : i32
      %dma_start3A_40 = tpu.memref_slice %arg4[%add3A, %dma_start3A_38, %dma_start3A_39] : memref<32x80x128xi32, #tpu.memory_space<hbm>> -> memref<1x40x128xi32, #tpu.memory_space<hbm>>
      %dma_start3A_41 = tpu.memref_squeeze %dma_start3A_40 : memref<1x40x128xi32, #tpu.memory_space<hbm>> -> memref<40x128xi32, #tpu.memory_space<hbm>>
      tpu.enqueue_dma source(%dma_start3A_41 : memref<40x128xi32, #tpu.memory_space<hbm>>) target(%arg8 : memref<40x128xi32, #tpu.memory_space<vmem>>) target_semaphore(%run_scoped3A : memref<!tpu.dma_semaphore, #tpu.memory_space<semaphore_mem>>)
      %dma_wait3A = arith.constant 40 : i32
      %dma_wait3A_42 = arith.constant 0 : i32
      %dma_wait3A_43 = tpu.memref_slice %arg4[%add3A, %dma_wait3A, %dma_wait3A_42] : memref<32x80x128xi32, #tpu.memory_space<hbm>> -> memref<1x40x128xi32, #tpu.memory_space<hbm>>
      %dma_wait3A_44 = tpu.memref_squeeze %dma_wait3A_43 : memref<1x40x128xi32, #tpu.memory_space<hbm>> -> memref<40x128xi32, #tpu.memory_space<hbm>>
      %dma_wait3A_45 = arith.constant 40 : i32
      %dma_wait3A_46 = arith.constant 0 : i32
      %dma_wait3A_47 = tpu.memref_slice %arg4[%add3A, %dma_wait3A_45, %dma_wait3A_46] : memref<32x80x128xi32, #tpu.memory_space<hbm>> -> memref<1x40x128xi32, #tpu.memory_space<hbm>>
      %dma_wait3A_48 = tpu.memref_squeeze %dma_wait3A_47 : memref<1x40x128xi32, #tpu.memory_space<hbm>> -> memref<40x128xi32, #tpu.memory_space<hbm>>
      tpu.wait_dma2 semaphore(%run_scoped3A : memref<!tpu.dma_semaphore, #tpu.memory_space<semaphore_mem>>) src(%dma_wait3A_48 : memref<40x128xi32, #tpu.memory_space<hbm>>) dst(%arg8 : memref<40x128xi32, #tpu.memory_space<vmem>>)
      tpu.yield
    }) : () -> ()
    %dma_start3A_16 = arith.constant 0 : i32
    %dma_start3A_17 = arith.constant 0 : i32
    %dma_start3A_18 = tpu.memref_slice %arg7[%dma_start3A_16, %dma_start3A_17] : memref<40x128xi32, #tpu.memory_space<vmem>> -> memref<1x128xi32, #tpu.memory_space<vmem>>
    %dma_start3A_19 = tpu.memref_squeeze %dma_start3A_18 : memref<1x128xi32, #tpu.memory_space<vmem>> -> memref<128xi32, #tpu.memory_space<vmem>>
    %dma_start3A_20 = arith.constant 0 : i32
    %dma_start3A_21 = arith.constant 0 : i32
    %dma_start3A_22 = tpu.memref_slice %arg2[%dma_start3A_20, %dma_start3A_21] : memref<10240x128xf32, #tpu.memory_space<hbm>> -> memref<10240x128xf32, #tpu.memory_space<hbm>>
    tpu.enqueue_indirect_dma source(%dma_start3A_22 : memref<10240x128xf32, #tpu.memory_space<hbm>>) target(%arg9 : memref<128x128xf32, #tpu.memory_space<vmem>>) offsets(%dma_start3A_19 : memref<128xi32, #tpu.memory_space<vmem>>) semaphore(%arg12 : memref<!tpu.dma_semaphore, #tpu.memory_space<semaphore_mem>>)
    %scan3A_23 = arith.constant 0 : i32
    %scan3A_24 = arith.constant 0 : i32
    %scan3A_25 = arith.constant 20 : i32
    %scan3A_26 = arith.addi %scan3A_24, %scan3A_25 : i32
    %scan3A_27 = arith.constant 1 : i32
    scf.for %scan3A_34 = %scan3A_24 to %scan3A_26 step %scan3A_27  : i32 {
      %mul3A_35 = arith.constant 2 : i32
      %mul3A_36 = arith.muli %scan3A_34, %mul3A_35 : i32
      %add3A_37 = arith.constant 0 : i32
      %add3A_38 = arith.addi %mul3A_36, %add3A_37 : i32
      %add3A_39 = arith.constant 1 : i32
      %add3A_40 = arith.addi %add3A_38, %add3A_39 : i32
      %lt3A = arith.constant 40 : i32
      %lt3A_41 = arith.cmpi slt, %add3A_40, %lt3A : i32
      %convert_element_type3A = arith.extui %lt3A_41 : i1 to i32
      %cond3A = arith.constant 0 : i32
      %cond3A_42 = arith.cmpi ne, %convert_element_type3A, %cond3A : i32
      scf.if %cond3A_42 {
        %add3A_65 = arith.constant 1 : i32
        %add3A_66 = arith.addi %add3A_38, %add3A_65 : i32
        %dma_start3A_67 = arith.constant 0 : i32
        %dma_start3A_68 = tpu.memref_slice %arg7[%add3A_66, %dma_start3A_67] : memref<40x128xi32, #tpu.memory_space<vmem>> -> memref<1x128xi32, #tpu.memory_space<vmem>>
        %dma_start3A_69 = tpu.memref_squeeze %dma_start3A_68 : memref<1x128xi32, #tpu.memory_space<vmem>> -> memref<128xi32, #tpu.memory_space<vmem>>
        %dma_start3A_70 = arith.constant 0 : i32
        %dma_start3A_71 = arith.constant 0 : i32
        %dma_start3A_72 = tpu.memref_slice %arg2[%dma_start3A_70, %dma_start3A_71] : memref<10240x128xf32, #tpu.memory_space<hbm>> -> memref<10240x128xf32, #tpu.memory_space<hbm>>
        tpu.enqueue_indirect_dma source(%dma_start3A_72 : memref<10240x128xf32, #tpu.memory_space<hbm>>) target(%arg10 : memref<128x128xf32, #tpu.memory_space<vmem>>) offsets(%dma_start3A_69 : memref<128xi32, #tpu.memory_space<vmem>>) semaphore(%arg13 : memref<!tpu.dma_semaphore, #tpu.memory_space<semaphore_mem>>)
      } else {
      }
      %dma_wait3A = arith.constant 0 : i32
      %dma_wait3A_43 = arith.constant 0 : i32
      %dma_wait3A_44 = tpu.memref_slice %arg2[%dma_wait3A, %dma_wait3A_43] : memref<10240x128xf32, #tpu.memory_space<hbm>> -> memref<128x128xf32, #tpu.memory_space<hbm>>
      %dma_wait3A_45 = arith.constant 0 : i32
      %dma_wait3A_46 = arith.constant 0 : i32
      %dma_wait3A_47 = tpu.memref_slice %arg2[%dma_wait3A_45, %dma_wait3A_46] : memref<10240x128xf32, #tpu.memory_space<hbm>> -> memref<128x128xf32, #tpu.memory_space<hbm>>
      tpu.wait_dma2 semaphore(%arg12 : memref<!tpu.dma_semaphore, #tpu.memory_space<semaphore_mem>>) src(%dma_wait3A_47 : memref<128x128xf32, #tpu.memory_space<hbm>>) dst(%arg9 : memref<128x128xf32, #tpu.memory_space<vmem>>)
      "tpu.region"() ({
        %run_scoped3A = tpu.sem_alloc : memref<!tpu.dma_semaphore, #tpu.memory_space<semaphore_mem>>
        %dma_start3A_65 = arith.constant 0 : i32
        %dma_start3A_66 = tpu.memref_slice %arg8[%add3A_38, %dma_start3A_65] : memref<40x128xi32, #tpu.memory_space<vmem>> -> memref<1x128xi32, #tpu.memory_space<vmem>>
        %dma_start3A_67 = tpu.memref_squeeze %dma_start3A_66 : memref<1x128xi32, #tpu.memory_space<vmem>> -> memref<128xi32, #tpu.memory_space<vmem>>
        %dma_start3A_68 = arith.constant 0 : i32
        %dma_start3A_69 = arith.constant 0 : i32
        %dma_start3A_70 = tpu.memref_slice %arg11[%dma_start3A_68, %dma_start3A_69] : memref<10240x128xf32, #tpu.memory_space<vmem_shared>> -> memref<10240x128xf32, #tpu.memory_space<vmem_shared>>
        tpu.enqueue_indirect_dma source(%arg9 : memref<128x128xf32, #tpu.memory_space<vmem>>) target(%dma_start3A_70 : memref<10240x128xf32, #tpu.memory_space<vmem_shared>>) offsets(%dma_start3A_67 : memref<128xi32, #tpu.memory_space<vmem>>) semaphore(%run_scoped3A : memref<!tpu.dma_semaphore, #tpu.memory_space<semaphore_mem>>) {add = true}
        %dma_wait3A_71 = arith.constant 0 : i32
        %dma_wait3A_72 = tpu.memref_slice %arg8[%add3A_38, %dma_wait3A_71] : memref<40x128xi32, #tpu.memory_space<vmem>> -> memref<1x128xi32, #tpu.memory_space<vmem>>
        %dma_wait3A_73 = tpu.memref_squeeze %dma_wait3A_72 : memref<1x128xi32, #tpu.memory_space<vmem>> -> memref<128xi32, #tpu.memory_space<vmem>>
        %dma_wait3A_74 = arith.constant 0 : i32
        %dma_wait3A_75 = arith.constant 0 : i32
        %dma_wait3A_76 = tpu.memref_slice %arg11[%dma_wait3A_74, %dma_wait3A_75] : memref<10240x128xf32, #tpu.memory_space<vmem_shared>> -> memref<10240x128xf32, #tpu.memory_space<vmem_shared>>
        tpu.wait_indirect_dma semaphore(%run_scoped3A : memref<!tpu.dma_semaphore, #tpu.memory_space<semaphore_mem>>) src(%arg9 : memref<128x128xf32, #tpu.memory_space<vmem>>) dst(%dma_wait3A_76 : memref<10240x128xf32, #tpu.memory_space<vmem_shared>>)
        tpu.yield
      }) : () -> ()
      %mul3A_48 = arith.constant 2 : i32
      %mul3A_49 = arith.muli %scan3A_34, %mul3A_48 : i32
      %add3A_50 = arith.constant 1 : i32
      %add3A_51 = arith.addi %mul3A_49, %add3A_50 : i32
      %add3A_52 = arith.constant 1 : i32
      %add3A_53 = arith.addi %add3A_51, %add3A_52 : i32
      %lt3A_54 = arith.constant 40 : i32
      %lt3A_55 = arith.cmpi slt, %add3A_53, %lt3A_54 : i32
      %convert_element_type3A_56 = arith.extui %lt3A_55 : i1 to i32
      %cond3A_57 = arith.constant 0 : i32
      %cond3A_58 = arith.cmpi ne, %convert_element_type3A_56, %cond3A_57 : i32
      scf.if %cond3A_58 {
        %add3A_65 = arith.constant 1 : i32
        %add3A_66 = arith.addi %add3A_51, %add3A_65 : i32
        %dma_start3A_67 = arith.constant 0 : i32
        %dma_start3A_68 = tpu.memref_slice %arg7[%add3A_66, %dma_start3A_67] : memref<40x128xi32, #tpu.memory_space<vmem>> -> memref<1x128xi32, #tpu.memory_space<vmem>>
        %dma_start3A_69 = tpu.memref_squeeze %dma_start3A_68 : memref<1x128xi32, #tpu.memory_space<vmem>> -> memref<128xi32, #tpu.memory_space<vmem>>
        %dma_start3A_70 = arith.constant 0 : i32
        %dma_start3A_71 = arith.constant 0 : i32
        %dma_start3A_72 = tpu.memref_slice %arg2[%dma_start3A_70, %dma_start3A_71] : memref<10240x128xf32, #tpu.memory_space<hbm>> -> memref<10240x128xf32, #tpu.memory_space<hbm>>
        tpu.enqueue_indirect_dma source(%dma_start3A_72 : memref<10240x128xf32, #tpu.memory_space<hbm>>) target(%arg9 : memref<128x128xf32, #tpu.memory_space<vmem>>) offsets(%dma_start3A_69 : memref<128xi32, #tpu.memory_space<vmem>>) semaphore(%arg12 : memref<!tpu.dma_semaphore, #tpu.memory_space<semaphore_mem>>)
      } else {
      }
      %dma_wait3A_59 = arith.constant 0 : i32
      %dma_wait3A_60 = arith.constant 0 : i32
      %dma_wait3A_61 = tpu.memref_slice %arg2[%dma_wait3A_59, %dma_wait3A_60] : memref<10240x128xf32, #tpu.memory_space<hbm>> -> memref<128x128xf32, #tpu.memory_space<hbm>>
      %dma_wait3A_62 = arith.constant 0 : i32
      %dma_wait3A_63 = arith.constant 0 : i32
      %dma_wait3A_64 = tpu.memref_slice %arg2[%dma_wait3A_62, %dma_wait3A_63] : memref<10240x128xf32, #tpu.memory_space<hbm>> -> memref<128x128xf32, #tpu.memory_space<hbm>>
      tpu.wait_dma2 semaphore(%arg13 : memref<!tpu.dma_semaphore, #tpu.memory_space<semaphore_mem>>) src(%dma_wait3A_64 : memref<128x128xf32, #tpu.memory_space<hbm>>) dst(%arg10 : memref<128x128xf32, #tpu.memory_space<vmem>>)
      "tpu.region"() ({
        %run_scoped3A = tpu.sem_alloc : memref<!tpu.dma_semaphore, #tpu.memory_space<semaphore_mem>>
        %dma_start3A_65 = arith.constant 0 : i32
        %dma_start3A_66 = tpu.memref_slice %arg8[%add3A_51, %dma_start3A_65] : memref<40x128xi32, #tpu.memory_space<vmem>> -> memref<1x128xi32, #tpu.memory_space<vmem>>
        %dma_start3A_67 = tpu.memref_squeeze %dma_start3A_66 : memref<1x128xi32, #tpu.memory_space<vmem>> -> memref<128xi32, #tpu.memory_space<vmem>>
        %dma_start3A_68 = arith.constant 0 : i32
        %dma_start3A_69 = arith.constant 0 : i32
        %dma_start3A_70 = tpu.memref_slice %arg11[%dma_start3A_68, %dma_start3A_69] : memref<10240x128xf32, #tpu.memory_space<vmem_shared>> -> memref<10240x128xf32, #tpu.memory_space<vmem_shared>>
        tpu.enqueue_indirect_dma source(%arg10 : memref<128x128xf32, #tpu.memory_space<vmem>>) target(%dma_start3A_70 : memref<10240x128xf32, #tpu.memory_space<vmem_shared>>) offsets(%dma_start3A_67 : memref<128xi32, #tpu.memory_space<vmem>>) semaphore(%run_scoped3A : memref<!tpu.dma_semaphore, #tpu.memory_space<semaphore_mem>>) {add = true}
        %dma_wait3A_71 = arith.constant 0 : i32
        %dma_wait3A_72 = tpu.memref_slice %arg8[%add3A_51, %dma_wait3A_71] : memref<40x128xi32, #tpu.memory_space<vmem>> -> memref<1x128xi32, #tpu.memory_space<vmem>>
        %dma_wait3A_73 = tpu.memref_squeeze %dma_wait3A_72 : memref<1x128xi32, #tpu.memory_space<vmem>> -> memref<128xi32, #tpu.memory_space<vmem>>
        %dma_wait3A_74 = arith.constant 0 : i32
        %dma_wait3A_75 = arith.constant 0 : i32
        %dma_wait3A_76 = tpu.memref_slice %arg11[%dma_wait3A_74, %dma_wait3A_75] : memref<10240x128xf32, #tpu.memory_space<vmem_shared>> -> memref<10240x128xf32, #tpu.memory_space<vmem_shared>>
        tpu.wait_indirect_dma semaphore(%run_scoped3A : memref<!tpu.dma_semaphore, #tpu.memory_space<semaphore_mem>>) src(%arg10 : memref<128x128xf32, #tpu.memory_space<vmem>>) dst(%dma_wait3A_76 : memref<10240x128xf32, #tpu.memory_space<vmem_shared>>)
        tpu.yield
      }) : () -> ()
    }
    %scan3A_28 = arith.constant 20 : i32
    %barrier3A_29 = arith.constant 0 : index
    tpu.barrier barrier_id(%barrier3A_29)
    %mul3A_30 = arith.constant 640 : i32
    %mul3A_31 = arith.muli %arg1, %mul3A_30 : i32
    %mul3A_32 = arith.constant 640 : i32
    %mul3A_33 = arith.muli %arg1, %mul3A_32 : i32
    "tpu.region"() ({
      %run_scoped3A = tpu.sem_alloc : memref<!tpu.dma_semaphore, #tpu.memory_space<semaphore_mem>>
      %dma_start3A_34 = arith.constant 0 : i32
      %dma_start3A_35 = tpu.memref_slice %arg6[%arg0, %mul3A_33, %dma_start3A_34] : memref<2x10240x128xf32, #tpu.memory_space<hbm>> -> memref<1x640x128xf32, #tpu.memory_space<hbm>>
      %dma_start3A_36 = tpu.memref_squeeze %dma_start3A_35 : memref<1x640x128xf32, #tpu.memory_space<hbm>> -> memref<640x128xf32, #tpu.memory_space<hbm>>
      %dma_start3A_37 = arith.constant 0 : i32
      %dma_start3A_38 = tpu.memref_slice %arg11[%mul3A_31, %dma_start3A_37] : memref<10240x128xf32, #tpu.memory_space<vmem_shared>> -> memref<640x128xf32, #tpu.memory_space<vmem_shared>>
      tpu.enqueue_dma source(%dma_start3A_38 : memref<640x128xf32, #tpu.memory_space<vmem_shared>>) target(%dma_start3A_36 : memref<640x128xf32, #tpu.memory_space<hbm>>) target_semaphore(%run_scoped3A : memref<!tpu.dma_semaphore, #tpu.memory_space<semaphore_mem>>)
      %dma_wait3A = arith.constant 0 : i32
      %dma_wait3A_39 = tpu.memref_slice %arg6[%arg0, %mul3A_33, %dma_wait3A] : memref<2x10240x128xf32, #tpu.memory_space<hbm>> -> memref<1x640x128xf32, #tpu.memory_space<hbm>>
      %dma_wait3A_40 = tpu.memref_squeeze %dma_wait3A_39 : memref<1x640x128xf32, #tpu.memory_space<hbm>> -> memref<640x128xf32, #tpu.memory_space<hbm>>
      %dma_wait3A_41 = arith.constant 0 : i32
      %dma_wait3A_42 = tpu.memref_slice %arg11[%mul3A_31, %dma_wait3A_41] : memref<10240x128xf32, #tpu.memory_space<vmem_shared>> -> memref<640x128xf32, #tpu.memory_space<vmem_shared>>
      tpu.wait_dma2 semaphore(%run_scoped3A : memref<!tpu.dma_semaphore, #tpu.memory_space<semaphore_mem>>) src(%dma_wait3A_42 : memref<640x128xf32, #tpu.memory_space<vmem_shared>>) dst(%dma_wait3A_40 : memref<640x128xf32, #tpu.memory_space<hbm>>)
      tpu.yield
    }) : () -> ()
    return
  }
}

module attributes {stable_mosaic.version = 14 : i64} {
  func.func @_mm1_body(%arg0: i32, %arg1: memref<512x128xf32, #tpu.memory_space<vmem>>, %arg2: memref<128x128xf32, #tpu.memory_space<vmem>>, %arg3: memref<2x512x1xf32, #tpu.memory_space<vmem>>, %arg4: memref<512x128xf32, #tpu.memory_space<vmem>>, %arg5: memref<512x1xf32, #tpu.memory_space<vmem>>) attributes {dimension_semantics = [#tpu.dimension_semantics<arbitrary>], iteration_bounds = array<i64: 20>, scalar_prefetch = 0 : i64, scratch_operands = 0 : i64, tpu.core_type = #tpu.core_type<tc>, window_params = [{transform_indices = @transform_0, window_bounds = array<i64: 512, 128>}, {pipeline_mode = #tpu.pipeline_mode<synchronous>, transform_indices = @transform_1, window_bounds = array<i64: 128, 128>}, {transform_indices = @transform_2, window_bounds = array<i64: 2, 512, 1>}, {transform_indices = @transform_3, window_bounds = array<i64: 512, 128>}, {transform_indices = @transform_4, window_bounds = array<i64: 512, 1>}]} {
    %get3A = arith.constant 0 : index
    %get3A_0 = arith.constant 0 : index
    %get3A_1 = arith.constant 0 : index
    %get3A_2 = vector.load %arg3[%get3A, %get3A_0, %get3A_1] : memref<2x512x1xf32, #tpu.memory_space<vmem>>, vector<1x512x1xf32>
    %get3A_3 = vector.shape_cast %get3A_2 : vector<1x512x1xf32> to vector<512x1xf32>
    %get3A_4 = arith.constant 1 : index
    %get3A_5 = arith.constant 0 : index
    %get3A_6 = arith.constant 0 : index
    %get3A_7 = vector.load %arg3[%get3A_4, %get3A_5, %get3A_6] : memref<2x512x1xf32, #tpu.memory_space<vmem>>, vector<1x512x1xf32>
    %get3A_8 = vector.shape_cast %get3A_7 : vector<1x512x1xf32> to vector<512x1xf32>
    %add3A = arith.addf %get3A_3, %get3A_8 : vector<512x1xf32>
    %add3A_9 = arith.constant 1.000000e+00 : f32
    %add3A_10 = vector.broadcast %add3A_9 : f32 to vector<512x1xf32>
    %add3A_11 = arith.addf %add3A, %add3A_10 : vector<512x1xf32>
    %rsqrt3A = math.rsqrt %add3A_11 : vector<512x1xf32>
    %swap3A = arith.constant 0 : index
    %swap3A_12 = arith.constant 0 : index
    %swap3A_13 = vector.load %arg5[%swap3A, %swap3A_12] : memref<512x1xf32, #tpu.memory_space<vmem>>, vector<512x1xf32>
    tpu.vector_store %arg5[%swap3A, %swap3A_12], %rsqrt3A {strides = array<i32>} : memref<512x1xf32, #tpu.memory_space<vmem>>, vector<512x1xf32>,
    %get3A_14 = arith.constant 0 : index
    %get3A_15 = arith.constant 0 : index
    %get3A_16 = vector.load %arg1[%get3A_14, %get3A_15] : memref<512x128xf32, #tpu.memory_space<vmem>>, vector<512x128xf32>
    %get3A_17 = arith.constant 0 : index
    %get3A_18 = arith.constant 0 : index
    %get3A_19 = vector.load %arg2[%get3A_17, %get3A_18] : memref<128x128xf32, #tpu.memory_space<vmem>>, vector<128x128xf32>
    %dot_general3A = arith.constant dense<0.000000e+00> : vector<512x128xf32>
    %dot_general3A_20 = tpu.matmul %get3A_16, %get3A_19, %dot_general3A {dimension_numbers = #tpu.dot_dimension_numbers<[1], [0], [0], [1], [0, 0, 1, 1], [], []>, transpose_lhs_hint = false} : vector<512x128xf32>, vector<128x128xf32>, vector<512x128xf32> -> vector<512x128xf32>
    %mul3A = vector.broadcast %rsqrt3A : vector<512x1xf32> to vector<512x128xf32>
    %mul3A_21 = arith.mulf %dot_general3A_20, %mul3A : vector<512x128xf32>
    %swap3A_22 = arith.constant 0 : index
    %swap3A_23 = arith.constant 0 : index
    %swap3A_24 = vector.load %arg4[%swap3A_22, %swap3A_23] : memref<512x128xf32, #tpu.memory_space<vmem>>, vector<512x128xf32>
    tpu.vector_store %arg4[%swap3A_22, %swap3A_23], %mul3A_21 {strides = array<i32>} : memref<512x128xf32, #tpu.memory_space<vmem>>, vector<512x128xf32>,
    return
  }
  func.func @transform_0(%arg0: i32) -> (i32, i32) {
    %c0_i32 = arith.constant 0 : i32
    %c0_i32_0 = arith.constant 0 : i32
    return %arg0, %c0_i32 : i32, i32
  }
  func.func @transform_1(%arg0: i32) -> (i32, i32) {
    %c0_i32 = arith.constant 0 : i32
    %c0_i32_0 = arith.constant 0 : i32
    %c0_i32_1 = arith.constant 0 : i32
    return %c0_i32, %c0_i32_0 : i32, i32
  }
  func.func @transform_2(%arg0: i32) -> (i32, i32, i32) {
    %c0_i32 = arith.constant 0 : i32
    %c0_i32_0 = arith.constant 0 : i32
    %c0_i32_1 = arith.constant 0 : i32
    return %c0_i32, %arg0, %c0_i32_0 : i32, i32, i32
  }
  func.func @transform_3(%arg0: i32) -> (i32, i32) {
    %c0_i32 = arith.constant 0 : i32
    %c0_i32_0 = arith.constant 0 : i32
    return %arg0, %c0_i32 : i32, i32
  }
  func.func @transform_4(%arg0: i32) -> (i32, i32) {
    %c0_i32 = arith.constant 0 : i32
    %c0_i32_0 = arith.constant 0 : i32
    return %arg0, %c0_i32 : i32, i32
  }
}

module attributes {stable_mosaic.version = 14 : i64} {
  func.func @_mid_body(%arg0: i32, %arg1: memref<2x512x128xf32, #tpu.memory_space<vmem>>, %arg2: memref<512x128xf32, #tpu.memory_space<vmem>>, %arg3: memref<512x1xf32, #tpu.memory_space<vmem>>, %arg4: memref<1x128xf32, #tpu.memory_space<vmem>>, %arg5: memref<128x128xf32, #tpu.memory_space<vmem>>, %arg6: memref<512x128xf32, #tpu.memory_space<vmem>>) attributes {dimension_semantics = [#tpu.dimension_semantics<arbitrary>], iteration_bounds = array<i64: 20>, scalar_prefetch = 0 : i64, scratch_operands = 0 : i64, tpu.core_type = #tpu.core_type<tc>, window_params = [{transform_indices = @transform_0, window_bounds = array<i64: 2, 512, 128>}, {transform_indices = @transform_1, window_bounds = array<i64: 512, 128>}, {transform_indices = @transform_2, window_bounds = array<i64: 512, 1>}, {pipeline_mode = #tpu.pipeline_mode<synchronous>, transform_indices = @transform_3, window_bounds = array<i64: 1, 128>}, {pipeline_mode = #tpu.pipeline_mode<synchronous>, transform_indices = @transform_4, window_bounds = array<i64: 128, 128>}, {transform_indices = @transform_5, window_bounds = array<i64: 512, 128>}]} {
    %get3A = arith.constant 0 : index
    %get3A_0 = arith.constant 0 : index
    %get3A_1 = arith.constant 0 : index
    %get3A_2 = vector.load %arg1[%get3A, %get3A_0, %get3A_1] : memref<2x512x128xf32, #tpu.memory_space<vmem>>, vector<1x512x128xf32>
    %get3A_3 = vector.shape_cast %get3A_2 : vector<1x512x128xf32> to vector<512x128xf32>
    %get3A_4 = arith.constant 1 : index
    %get3A_5 = arith.constant 0 : index
    %get3A_6 = arith.constant 0 : index
    %get3A_7 = vector.load %arg1[%get3A_4, %get3A_5, %get3A_6] : memref<2x512x128xf32, #tpu.memory_space<vmem>>, vector<1x512x128xf32>
    %get3A_8 = vector.shape_cast %get3A_7 : vector<1x512x128xf32> to vector<512x128xf32>
    %add3A = arith.addf %get3A_3, %get3A_8 : vector<512x128xf32>
    %get3A_9 = arith.constant 0 : index
    %get3A_10 = arith.constant 0 : index
    %get3A_11 = vector.load %arg2[%get3A_9, %get3A_10] : memref<512x128xf32, #tpu.memory_space<vmem>>, vector<512x128xf32>
    %add3A_12 = arith.addf %add3A, %get3A_11 : vector<512x128xf32>
    %get3A_13 = arith.constant 0 : index
    %get3A_14 = arith.constant 0 : index
    %get3A_15 = vector.load %arg3[%get3A_13, %get3A_14] : memref<512x1xf32, #tpu.memory_space<vmem>>, vector<512x1xf32>
    %mul3A = vector.broadcast %get3A_15 : vector<512x1xf32> to vector<512x128xf32>
    %mul3A_16 = arith.mulf %add3A_12, %mul3A : vector<512x128xf32>
    %get3A_17 = arith.constant 0 : index
    %get3A_18 = arith.constant 0 : index
    %get3A_19 = vector.load %arg4[%get3A_17, %get3A_18] : memref<1x128xf32, #tpu.memory_space<vmem>>, vector<1x128xf32>
    %add3A_20 = vector.broadcast %get3A_19 : vector<1x128xf32> to vector<512x128xf32>
    %add3A_21 = arith.addf %mul3A_16, %add3A_20 : vector<512x128xf32>
    %max3A = arith.constant 0.000000e+00 : f32
    %max3A_22 = vector.broadcast %max3A : f32 to vector<512x128xf32>
    %max3A_23 = arith.maximumf %add3A_21, %max3A_22 : vector<512x128xf32>
    %get3A_24 = arith.constant 0 : index
    %get3A_25 = arith.constant 0 : index
    %get3A_26 = vector.load %arg5[%get3A_24, %get3A_25] : memref<128x128xf32, #tpu.memory_space<vmem>>, vector<128x128xf32>
    %dot_general3A = arith.constant dense<0.000000e+00> : vector<512x128xf32>
    %dot_general3A_27 = tpu.matmul %max3A_23, %get3A_26, %dot_general3A {dimension_numbers = #tpu.dot_dimension_numbers<[1], [0], [0], [1], [0, 0, 1, 1], [], []>, transpose_lhs_hint = false} : vector<512x128xf32>, vector<128x128xf32>, vector<512x128xf32> -> vector<512x128xf32>
    %mul3A_28 = vector.broadcast %get3A_15 : vector<512x1xf32> to vector<512x128xf32>
    %mul3A_29 = arith.mulf %dot_general3A_27, %mul3A_28 : vector<512x128xf32>
    %swap3A = arith.constant 0 : index
    %swap3A_30 = arith.constant 0 : index
    %swap3A_31 = vector.load %arg6[%swap3A, %swap3A_30] : memref<512x128xf32, #tpu.memory_space<vmem>>, vector<512x128xf32>
    tpu.vector_store %arg6[%swap3A, %swap3A_30], %mul3A_29 {strides = array<i32>} : memref<512x128xf32, #tpu.memory_space<vmem>>, vector<512x128xf32>,
    return
  }
  func.func @transform_0(%arg0: i32) -> (i32, i32, i32) {
    %c0_i32 = arith.constant 0 : i32
    %c0_i32_0 = arith.constant 0 : i32
    %c0_i32_1 = arith.constant 0 : i32
    return %c0_i32, %arg0, %c0_i32_0 : i32, i32, i32
  }
  func.func @transform_1(%arg0: i32) -> (i32, i32) {
    %c0_i32 = arith.constant 0 : i32
    %c0_i32_0 = arith.constant 0 : i32
    return %arg0, %c0_i32 : i32, i32
  }
  func.func @transform_2(%arg0: i32) -> (i32, i32) {
    %c0_i32 = arith.constant 0 : i32
    %c0_i32_0 = arith.constant 0 : i32
    return %arg0, %c0_i32 : i32, i32
  }
  func.func @transform_3(%arg0: i32) -> (i32, i32) {
    %c0_i32 = arith.constant 0 : i32
    %c0_i32_0 = arith.constant 0 : i32
    %c0_i32_1 = arith.constant 0 : i32
    return %c0_i32, %c0_i32_0 : i32, i32
  }
  func.func @transform_4(%arg0: i32) -> (i32, i32) {
    %c0_i32 = arith.constant 0 : i32
    %c0_i32_0 = arith.constant 0 : i32
    %c0_i32_1 = arith.constant 0 : i32
    return %c0_i32, %c0_i32_0 : i32, i32
  }
  func.func @transform_5(%arg0: i32) -> (i32, i32) {
    %c0_i32 = arith.constant 0 : i32
    %c0_i32_0 = arith.constant 0 : i32
    return %arg0, %c0_i32 : i32, i32
  }
}

module attributes {stable_mosaic.version = 14 : i64} {
  func.func @_fin_body(%arg0: i32, %arg1: memref<2x512x128xf32, #tpu.memory_space<vmem>>, %arg2: memref<512x128xf32, #tpu.memory_space<vmem>>, %arg3: memref<512x1xf32, #tpu.memory_space<vmem>>, %arg4: memref<1x128xf32, #tpu.memory_space<vmem>>, %arg5: memref<512x128xf32, #tpu.memory_space<vmem>>) attributes {dimension_semantics = [#tpu.dimension_semantics<arbitrary>], iteration_bounds = array<i64: 20>, scalar_prefetch = 0 : i64, scratch_operands = 0 : i64, tpu.core_type = #tpu.core_type<tc>, window_params = [{transform_indices = @transform_0, window_bounds = array<i64: 2, 512, 128>}, {transform_indices = @transform_1, window_bounds = array<i64: 512, 128>}, {transform_indices = @transform_2, window_bounds = array<i64: 512, 1>}, {pipeline_mode = #tpu.pipeline_mode<synchronous>, transform_indices = @transform_3, window_bounds = array<i64: 1, 128>}, {transform_indices = @transform_4, window_bounds = array<i64: 512, 128>}]} {
    %get3A = arith.constant 0 : index
    %get3A_0 = arith.constant 0 : index
    %get3A_1 = arith.constant 0 : index
    %get3A_2 = vector.load %arg1[%get3A, %get3A_0, %get3A_1] : memref<2x512x128xf32, #tpu.memory_space<vmem>>, vector<1x512x128xf32>
    %get3A_3 = vector.shape_cast %get3A_2 : vector<1x512x128xf32> to vector<512x128xf32>
    %get3A_4 = arith.constant 1 : index
    %get3A_5 = arith.constant 0 : index
    %get3A_6 = arith.constant 0 : index
    %get3A_7 = vector.load %arg1[%get3A_4, %get3A_5, %get3A_6] : memref<2x512x128xf32, #tpu.memory_space<vmem>>, vector<1x512x128xf32>
    %get3A_8 = vector.shape_cast %get3A_7 : vector<1x512x128xf32> to vector<512x128xf32>
    %add3A = arith.addf %get3A_3, %get3A_8 : vector<512x128xf32>
    %get3A_9 = arith.constant 0 : index
    %get3A_10 = arith.constant 0 : index
    %get3A_11 = vector.load %arg2[%get3A_9, %get3A_10] : memref<512x128xf32, #tpu.memory_space<vmem>>, vector<512x128xf32>
    %add3A_12 = arith.addf %add3A, %get3A_11 : vector<512x128xf32>
    %get3A_13 = arith.constant 0 : index
    %get3A_14 = arith.constant 0 : index
    %get3A_15 = vector.load %arg3[%get3A_13, %get3A_14] : memref<512x1xf32, #tpu.memory_space<vmem>>, vector<512x1xf32>
    %mul3A = vector.broadcast %get3A_15 : vector<512x1xf32> to vector<512x128xf32>
    %mul3A_16 = arith.mulf %add3A_12, %mul3A : vector<512x128xf32>
    %get3A_17 = arith.constant 0 : index
    %get3A_18 = arith.constant 0 : index
    %get3A_19 = vector.load %arg4[%get3A_17, %get3A_18] : memref<1x128xf32, #tpu.memory_space<vmem>>, vector<1x128xf32>
    %add3A_20 = vector.broadcast %get3A_19 : vector<1x128xf32> to vector<512x128xf32>
    %add3A_21 = arith.addf %mul3A_16, %add3A_20 : vector<512x128xf32>
    %swap3A = arith.constant 0 : index
    %swap3A_22 = arith.constant 0 : index
    %swap3A_23 = vector.load %arg5[%swap3A, %swap3A_22] : memref<512x128xf32, #tpu.memory_space<vmem>>, vector<512x128xf32>
    tpu.vector_store %arg5[%swap3A, %swap3A_22], %add3A_21 {strides = array<i32>} : memref<512x128xf32, #tpu.memory_space<vmem>>, vector<512x128xf32>,
    return
  }
  func.func @transform_0(%arg0: i32) -> (i32, i32, i32) {
    %c0_i32 = arith.constant 0 : i32
    %c0_i32_0 = arith.constant 0 : i32
    %c0_i32_1 = arith.constant 0 : i32
    return %c0_i32, %arg0, %c0_i32_0 : i32, i32, i32
  }
  func.func @transform_1(%arg0: i32) -> (i32, i32) {
    %c0_i32 = arith.constant 0 : i32
    %c0_i32_0 = arith.constant 0 : i32
    return %arg0, %c0_i32 : i32, i32
  }
  func.func @transform_2(%arg0: i32) -> (i32, i32) {
    %c0_i32 = arith.constant 0 : i32
    %c0_i32_0 = arith.constant 0 : i32
    return %arg0, %c0_i32 : i32, i32
  }
  func.func @transform_3(%arg0: i32) -> (i32, i32) {
    %c0_i32 = arith.constant 0 : i32
    %c0_i32_0 = arith.constant 0 : i32
    %c0_i32_1 = arith.constant 0 : i32
    return %c0_i32, %c0_i32_0 : i32, i32
  }
  func.func @transform_4(%arg0: i32) -> (i32, i32) {
    %c0_i32 = arith.constant 0 : i32
    %c0_i32_0 = arith.constant 0 : i32
    return %arg0, %c0_i32 : i32, i32
  }
}

</mosaic_0001>

<sc_bundles>
// kernel: kernel.11.cloned.1.call-start
scs
__scs_entry_jumppad:
0x0: {  	(pc) =	sbr.rel $0x88, $3  }
0x1: {  	(tag) =	ssettag $0x0;
	lr =	simm.s32 $0x1  }
0x2: {  	[smem:$0x3F9B] =	sst lr;
	_ =	strace $0xD0000000  }
0x3: {  	_ = 	snop  }
0x4: {  	_ = 	snop  }
0x5: {  	_ = 	snop  }
0x6: {  	_ = 	snop  }
0x7: {  	_ = 	snop  }
__scs_overlays_trampoline_lowered:
0x8: {  	[smem:$0x3FAA] =	sst s0  }
0x9: {  	[smem:$0x3FAB] =	sst s1  }
0xa: {  	[smem:$0x3FAC] =	sst s2  }
0xb: {  	[smem:$0x3FAD] =	sst s3  }
0xc: {  	[smem:$0x3FAE] =	sst s4  }
0xd: {  	[smem:$0x3FAF] =	sst s5  }
0xe: {  	[smem:$0x3FB0] =	sst s6  }
0xf: {  	[smem:$0x3FB1] =	sst s7  }
0x10: {  	[smem:$0x3FB2] =	sst s8  }
0x11: {  	[smem:$0x3FB3] =	sst s9;
	s0 =	simm.s32 @!p0 $0x0  }
0x12: {  	s1 =	sld [smem:$0x3F99];
	s0 =	simm.s32 @p0 $0x1  }
0x13: {  	[smem:$0x3FB4] =	sst s0;
	s0 =	simm.s32 @!p1 $0x0  }
0x14: {  	s2 =	sld [smem:$0x3F98];
	s0 =	simm.s32 @p1 $0x1  }
0x15: {  	[smem:$0x3FB5] =	sst s0;
	s0 =	simm.s32 @!p2 $0x0  }
0x16: {  	s3 =	sld [smem:$0x3FDB];
	s0 =	simm.s32 @p2 $0x1  }
0x17: {  	s4 =	simm.s32 $0x1BF5;
	[smem:$0x3FB7] =	sst s0  }
0x18: {  	s0 =	sld [smem:$0x3F9A];
	_ =	swait.ge [sflag:s4], $0x0  }
0x19: {  	s7 =	sld [smem:$0x3F9B]  }
0x1a: {  	s8 =	sadd.s32 $0xFFFFE003, lr  }
0x1b: {  	s9 =	sadd.s32 $0xFFFFFEF7, lr;
	s5 =	simm.s32 $0xFFFFFFFF;
	p2 =	slt.u32 s8, $0xFFFFF086  }
0x1c: {  	p1 =	slt.u32 s9, $0xF7A;
	s5 =	simm.s32 @!p2 $0x0  }
0x1d: {  	s5 =	simm.s32 @p1 $0x1;
	p0 =	seq.s32 s7, s2  }
0x1e: {  	s7 =	smul.u32 @!p0 $0xF7A, s2;
	p2 =	seq.s32 @!p0 s5, $0x0  }
0x1f: {  	s9 =	smul.u32 $0xF7A, s1;
	s8 =	simm.s32 @!p0 $0x1BF5;
	p2 =	por !p2, p0  }
0x20: {  	[sflag:s8] =	ssyncset.s32 @!p0 $0xFFFFF086;
	s6 =	sadd.s32 @!p0 s3, s7;
	s7 =	simm.s32 @!p0 $0x108  }
0x21: {  	s3 =	sadd.s32 s3, s9;
	s6 =	sadd.s32 @!p0 $0x88, s6;
	s7 =	simm.s32 @p2 $0x1082  }
0x22: {  	[simem:s7], [sflag:s8] =	dma.local @!p0 [hbm:s6], $0xF7A  }
0x23: {  	s9 =	sor.u32 $0xD0000000, s2;
	s6 =	simm.s32 $0x108;
	_ =	swait.ge @!p0 [sflag:s8], $0x0  }
0x24: {  	s3 =	sadd.s32 $0x88, s3;
	s6 =	simm.s32 @!p1 $0x1082;
	[sflag:s4] =	ssyncset.s32 $0xFFFFF086  }
0x25: {  	[simem:s6], [sflag:s4] =	dma.local [hbm:s3], $0xF7A  }
0x26: {  	[smem:$0x3F9B] =	sst s1;
	(tag) =	ssettag s2;
	_ =	strace s9  }
0x27: {  	s1 =	sld [smem:$0x3FAB]  }
0x28: {  	s2 =	sld [smem:$0x3FAC]  }
0x29: {  	s4 =	sld [smem:$0x3FAE]  }
0x2a: {  	p0 =	seq.s32 s5, $0x0;
	s5 =	sld [smem:$0x3FAF]  }
0x2b: {  	s6 =	sld [smem:$0x3FB0]  }
0x2c: {  	s7 =	sld [smem:$0x3FB1]  }
0x2d: {  	s3 =	simm.s32 $0x108;
	s8 =	sld [smem:$0x3FB2]  }
0x2e: {  	s3 =	simm.s32 @!p0 $0x1082;
	s9 =	sld [smem:$0x3FB3]  }
0x2f: {  	lr =	sadd.s32 s0, s3;
	s0 =	sld [smem:$0x3FAA]  }
0x30: {  	s3 =	sld [smem:$0x3FAD]  }
0x31: {  	[smem:$0x3FB6] =	sst s10  }
0x32: {  	s10 =	sld [smem:$0x3FB4];
	_ =	sdelay $0x3  }
0x33: {  	p0 =	seq.s32 s10, $0x1;
	s10 =	sld [smem:$0x3FB6];
	_ =	sdelay $0x3  }
0x34: {  	[smem:$0x3FB6] =	sst s10  }
0x35: {  	s10 =	sld [smem:$0x3FB5];
	_ =	sdelay $0x3  }
0x36: {  	p1 =	seq.s32 s10, $0x1;
	s10 =	sld [smem:$0x3FB6];
	_ =	sdelay $0x3  }
0x37: {  	[smem:$0x3FB6] =	sst s10  }
0x38: {  	s10 =	sld [smem:$0x3FB7]  }
0x39: {  	_ = 	snop;
	(pc) =	sbr.ind lr, $3  }
0x3a: {  	_ = 	snop  }
0x3b: {  	_ = 	snop  }
0x3c: {  	p2 =	seq.s32 s10, $0x1;
	s10 =	sld [smem:$0x3FB6]  }
0x3d: {  	_ =	shalt  }
0x3e: {  	_ =	shalt  }
0x3f: {  	_ =	shalt  }
0x40: {  	_ =	shalt  }
0x41: {  	_ =	shalt  }
0x42: {  	_ =	shalt  }
0x43: {  	_ =	shalt  }
0x44: {  	_ =	shalt  }
0x45: {  	_ =	shalt  }
0x46: {  	_ =	shalt  }
0x47: {  	_ =	shalt  }
0x48: {  	_ =	shalt  }
0x49: {  	_ =	shalt  }
0x4a: {  	_ =	shalt  }
0x4b: {  	_ =	shalt  }
0x4c: {  	_ =	shalt  }
0x4d: {  	_ =	shalt  }
0x4e: {  	_ =	shalt  }
0x4f: {  	_ =	shalt  }
0x50: {  	_ =	shalt  }
0x51: {  	_ =	shalt  }
0x52: {  	_ =	shalt  }
0x53: {  	_ =	shalt  }
0x54: {  	_ =	shalt  }
0x55: {  	_ =	shalt  }
0x56: {  	_ =	shalt  }
0x57: {  	_ =	shalt  }
0x58: {  	_ =	shalt  }
0x59: {  	_ =	shalt  }
0x5a: {  	_ =	shalt  }
0x5b: {  	_ =	shalt  }
0x5c: {  	_ =	shalt  }
0x5d: {  	_ =	shalt  }
0x5e: {  	_ =	shalt  }
0x5f: {  	_ =	shalt  }
0x60: {  	_ =	shalt  }
0x61: {  	_ =	shalt  }
0x62: {  	_ =	shalt  }
0x63: {  	_ =	shalt  }
0x64: {  	_ =	shalt  }
0x65: {  	_ =	shalt  }
0x66: {  	_ =	shalt  }
0x67: {  	_ =	shalt  }
0x68: {  	_ =	shalt  }
0x69: {  	_ =	shalt  }
0x6a: {  	_ =	shalt  }
0x6b: {  	_ =	shalt  }
0x6c: {  	_ =	shalt  }
0x6d: {  	_ =	shalt  }
0x6e: {  	_ =	shalt  }
0x6f: {  	_ =	shalt  }
0x70: {  	_ =	shalt  }
0x71: {  	_ =	shalt  }
0x72: {  	_ =	shalt  }
0x73: {  	_ =	shalt  }
0x74: {  	_ =	shalt  }
0x75: {  	_ =	shalt  }
0x76: {  	_ =	shalt  }
0x77: {  	_ =	shalt  }
0x78: {  	_ =	shalt  }
0x79: {  	_ =	shalt  }
0x7a: {  	_ =	shalt  }
0x7b: {  	_ =	shalt  }
0x7c: {  	_ =	shalt  }
0x7d: {  	_ =	shalt  }
0x7e: {  	_ =	shalt  }
0x7f: {  	_ =	shalt  }
0x80: {  	_ =	shalt  }
0x81: {  	_ =	shalt  }
0x82: {  	_ =	shalt  }
0x83: {  	_ =	shalt  }
0x84: {  	_ =	shalt  }
0x85: {  	_ =	shalt  }
0x86: {  	_ =	shalt  }
0x87: {  	_ =	shalt  }
.Lfunc_end0:
.L_simem_size_0:
called_computation.1_lowered:
.L_overlay_start_0:
0x88: {  	s2 =	sld [smem:$0x3FD9]  }
0x89: {  	s3 =	sld [smem:$0x3FFE];
	_ =	sdelay $0x1  }
0x8a: {  	s1 =	srdreg.scid  }
0x8b: {  	s0 =	sand.u32 $0x1, s1  }
0x8c: {  	s17 =	sshll.u32 s0, $0xA;
	s2 =	sadd.s32 s3, s2  }
0x8d: {  	s2 =	sadd.s32 s2, s17  }
0x8e: {  	[smem:$0x3FC2] =	sst s2  }
0x8f: {  	_ = 	snop  }
0x90: {  	s2 =	sld [smem:$0x3FD0];
	(tm) =	ssettm $0x1  }
0x91: {  	s18 =	sld [smem:$0x3FFB];
	_ =	sdelay $0x3  }
0x92: {  	_ =	strace s18  }
0x93: {  	s3 =	sld [smem:$0x3FFC];
	_ =	sdelay $0x3  }
0x94: {  	_ =	strace s3  }
0x95: {  	s3 =	sld [smem:$0x3FFD];
	_ =	sdelay $0x3  }
0x96: {  	_ =	strace s3  }
0x97: {  	_ =	strace $0x8FFFFFFF  }
0x98: {  	s19 =	sld [smem:$0x3FDB];
	_ =	sdelay $0x1  }
0x99: {  	s4 =	simm.s32 $_scs_section_size  }
0x9a: {  	s5 =	simm.s32 $_size__tile_overlayer_lowered;
	s6 =	simm.s32 $_tile_overlayer_lowered  }
0x9b: {  	s22 =	simm.s32 $0x1BFF;
	s21 =	sshll.u32 s6, $0x1;
	s3 =	sadd.s32 s4, s19  }
0x9c: {  	s7 =	simm.s32 $0x0;
	s20 =	sshll.u32 s5, $0x1;
	s5 =	sadd.s32 s21, s3  }
0x9d: {  	[timem:s7], [sflag:s22] =	dma.local [hbm:s5], s20  }
0x9e: {  	_ =	swait.ge [sflag:s22], s20  }
0x9f: {  	s4 =	ssub.s32 $0x0, s20;
	[sflag:s22] =	ssyncset.done $0x0  }
0xa0: {  	[sflag:s22] =	ssyncadd.s32 s4;
	_ =	sdelay $0x1  }
0xa1: {  	s23 =	simm.s32 $0x1B8B  }
0xa2: {  	_ =	swait.ge [sflag:s23], $0x1  }
0xa3: {  	[sflag:s23] =	ssyncset.done $0x0  }
0xa4: {  	s25 =	simm.s32 $0x1B8E;
	s24 =	sld [smem:$0x3FFE];
	[sflag:s23] =	ssyncadd.s32 $0xFFFFFFFF  }
0xa5: {  	s26 =	simm.s32 $execute0_lowered;
	[smem:$0x3FD2] =	sst s25  }
0xa6: {  	s5 =	sshll.u32 s26, $0x1;
	_ =	strace $0x80000049;
	[dreg:$0x1] =	wrdreg $0xFFFFFFFF  }
0xa7: {  	s28 =	simm.s32 $_size_execute0_lowered;
	s3 =	sadd.s32 s3, s5;
	[dreg:$0x0] =	wrdreg $0x0  }
0xa8: {  	s5 =	sshll.u32 s28, $0x1;
	[dreg:$0x2] =	wrdreg s3  }
0xa9: {  	[dreg:$0x3] =	wrdreg s5  }
0xaa: {  	[dreg:$0x4] =	wrdreg $0xC0  }
0xab: {  	_ =	task [dreg:s7], $0x5FFFF  }
0xac: {  	[dreg:$0x1] =	wrdreg $0xFFFFFFFF  }
0xad: {  	[dreg:$0x0] =	wrdreg $0x60  }
0xae: {  	[dreg:$0x2] =	wrdreg s24  }
0xaf: {  	[dreg:$0x3] =	wrdreg s2  }
0xb0: {  	[dreg:$0x4] =	wrdreg $0xA8000  }
0xb1: {  	[dreg:$0x5] =	wrdreg $0x9  }
0xb2: {  	_ =	task.clear_ibuf [dreg:s7], $0x6FFFF;
	_ =	strace $0x90000049  }
0xb3: {  	s29 =	simm.s32 $0x9;
	_ =	strace $0x8000004B  }
0xb4: {  	_ =	swait.ge [sflag:s29], $0x1  }
0xb5: {  	[sflag:s29] =	ssyncadd.s32 $0xFFFFFFFF  }
0xb6: {  	_ =	strace $0x9000004B  }
0xb7: {  	_ =	sfence  }
0xb8: {  	s30 =	sld [smem:$0x0];
	_ =	sdelay $0x2  }
0xb9: {  	s31 =	sshll.u32 s1, $0xD;
	s1 =	sshrl.u32 s1, $0x2  }
0xba: {  	s3 =	sand.u32 $0x4000, s31;
	s1 =	sadd.s32 s1, s30  }
0xbb: {  	s0 =	sor.u32 s3, s0;
	s1 =	sshll.u32 s1, $0x11  }
0xbc: {  	s0 =	sor.u32 s1, s0  }
0xbd: {  	s0 =	sadd.s32 $0x8F2B, s0  }
0xbe: {  	[sflag:s0] =	ssyncadd.remote.s32 $0x1  }
0xbf: {  	_ =	sfence.sel $0xFFFF  }
0xc0: {  	[dreg:$0x0] =	wrdreg $0xFFFFFFFF;
	(pc) =	sbr.abs _section_cstart, $3  }
0xc1: {  	[dreg:$0x1] =	wrdreg $0xFFFFFFFF  }
0xc2: {  	_ =	task.clear_ibuf [dreg:s7], $0x2FFFF;
	_ =	strace $0x9FFFFFFF  }
0xc3: {  	(tm) =	ssettm $0x7FFFFFFF  }
tec
execute0_lowered:
.L_overlay_start_1:
0x0: {  	(tag) =	ssettag $0x1  }
0x1: {  	s5 =	rddreg [dreg:$0x0]  }
0x2: {  	s10 =	rddreg [dreg:$0x1]  }
0x3: {  	s2 =	rddreg [dreg:$0x2]  }
0x4: {  	s0 =	rddreg [dreg:$0x3];
	s3 =	simm.s32 $0x0;
	s1 =	stileid.u32  }
0x5: {  	s4 =	srdreg.scid;
	s16 =	simm.s32 $0x80;
	s17 =	simm.s32 $0x2800  }
0x6: {  	s18 =	simm.s32 $0x6800;
	s19 =	simm.s32 $0x1;
	s20 =	simm.s32 $0x2  }
0x7: {  	s21 =	simm.s32 $0x1380;
	s22 =	simm.s32 $0x2700;
	s23 =	simm.s32 $0x2780  }
0x8: {  	s24 =	simm.s32 $0x0;
	[smem:$0x7FF] =	sst s3;
	s6 =	smul.u32 $0x14000, s1  }
0x9: {  	s7 =	sand.u32 $0x1, s4;
	s4 =	sadd.s32 $0xC800, s5;
	s9 =	sadd.s32 $0x2800, s5  }
0xa: {  	s12 =	smul.u32 $0x50000, s1;
	s30 =	sshll.u32 s1, $0x6;
	_ =	strace $0x8000004A  }
0xb: {  	s8 =	smul.u32 $0x140000, s7;
	s28 =	sshll.u32 s7, $0x4;
	s7 =	ssub.s32 $0x2, s7  }
0xc: {  	s11 =	sshrl.u32 s6, $0x3;
	s13 =	sshrl.u32 s7, $0x1;
	s29 =	sshrl.u32 s12, $0x2  }
0xd: {  	s11 =	sadd.s32 s11, s5;
	s6 =	sadd.s32 s6, s8;
	s8 =	sor.u32 s1, s28  }
0xe: {  	s13 =	ssub.s32 s7, s13;
	s15 =	sadd.s32 s29, s2;
	s6 =	sshrl.u32 s6, $0x3  }
0xf: {  	s8 =	smul.u32 $0x2800, s8;
	s12 =	smax.u32 s13, $0x1;
	s13 =	sshrl.u32 s15, $0x3  }
0x10: {  	s15 =	simm.s32 $0x1400;
	s14 =	sadd.s32 s6, s5;
	s5 =	sadd.s32 $0x34800, s11  }
0x11: {  	s6 =	sor.u32 $0x1C03, s30;
	s8 =	sshrl.u32 s8, $0x3;
	s11 =	sadd.s32 $0x5C800, s14  }
0x12: {  	s14 =	simm.s32 $0x3;
	s31 =	sadd.s32 $0x280, s8;
	s7 =	sadd.s32 s9, s8  }
0x13: {  	s8 =	sadd.s32 s10, s8;
	s9 =	sadd.s32 s9, s31;
	s10 =	sadd.s32 s10, s31  }
.LBB2_1:
0x14: {  	[spmem:s13], [sflag:s6] =	dma.local [hbm:s5], $0x2800  }
0x15: {  	_ =	swait.ge [sflag:s14], $0x2800  }
0x16: {  	[sflag:s14] =	ssyncset.done $0x0  }
0x17: {  	[sflag:s14] =	ssyncadd.s32 $0xFFFFD800  }
0x18: {  	[bflag:$0x0] =	sbarrier.arrive $0xFFFF  }
0x19: {  	[tilespmem:s3], [sflag:$0x3] =	stream.linear.gather [hbm4b:s7+s3], $0x1400, $0x38;
	[tilespmem:$0x1E800] =	vst v63  }
0x1a: {  	_ =	swait.ge [sflag:s14], $0x1400  }
0x1b: {  	[sflag:s14] =	ssyncset.done $0x0  }
0x1c: {  	[sflag:s14] =	ssyncadd.s32 $0xFFFFEC00  }
0x1d: {  	[tilespmem:s15], [sflag:$0x3] =	stream.linear.gather [hbm4b:s8+s3], $0x1400, $0x38;
	[tilespmem:$0x1E800] =	vst v63  }
0x1e: {  	_ =	swait.ge [sflag:s14], $0x1400  }
0x1f: {  	[sflag:s14] =	ssyncset.done $0x0  }
0x20: {  	[sflag:s14] =	ssyncadd.s32 $0xFFFFEC00  }
0x21: {  	[tilespmem:s17], [sflag:$0x1] =	stream.indirect.gather [hbm4b:s4+s16], $0x80, s3, s16, $0xb8;
	[tilespmem:$0x1E800] =	vst v63  }
0x22: {  	s25 =	simm.s32 $0x80  }
0x23: {  	[tilespmem:s18], [sflag:$0x2] =	stream.indirect.gather [hbm4b:s4+s16], $0x80, s25, s16, $0xb8;
	[tilespmem:$0x1E800] =	vst v63  }
0x24: {  	_ =	swait.ge [sflag:s19], $0x4000  }
0x25: {  	[sflag:s19] =	ssyncset.done $0x0  }
0x26: {  	s29 =	simm.s32 $0x1400;
	[sflag:s19] =	ssyncadd.s32 $0xFFFFC000  }
0x27: {  	[spmem:s2] =	stream.indirect.scatter.add.f32 [tilespmem:s17], [sflag:$0x3], $0x80, s29, s16, $0xb8;
	[tilespmem:$0x1E800] =	vst v63  }
0x28: {  	_ =	swait.ge [sflag:s14], $0x4000  }
0x29: {  	[sflag:s14] =	ssyncset.done $0x0  }
0x2a: {  	s30 =	simm.s32 $0x100;
	[sflag:s14] =	ssyncadd.s32 $0xFFFFC000  }
0x2b: {  	[tilespmem:s17], [sflag:$0x1] =	stream.indirect.gather [hbm4b:s4+s16], $0x80, s30, s16, $0xb8;
	[tilespmem:$0x1E800] =	vst v63  }
0x2c: {  	_ =	swait.ge [sflag:s20], $0x4000  }
0x2d: {  	[sflag:s20] =	ssyncset.done $0x0  }
0x2e: {  	s31 =	simm.s32 $0x1480;
	[sflag:s20] =	ssyncadd.s32 $0xFFFFC000  }
0x2f: {  	[spmem:s2] =	stream.indirect.scatter.add.f32 [tilespmem:s18], [sflag:$0x3], $0x80, s31, s16, $0xb8;
	[tilespmem:$0x1E800] =	vst v63  }
0x30: {  	_ =	swait.ge [sflag:s14], $0x4000  }
0x31: {  	s26 =	simm.s32 $0x800;
	s25 =	simm.s32 $0x100;
	[sflag:s14] =	ssyncset.done $0x0  }
.LBB2_2:
0x32: {  	s28 =	sadd.s32 $0x80, s25  }
0x33: {  	[sflag:s14] =	ssyncadd.s32 $0xFFFFC000;
	s29 =	smov.u32 s26;
	s30 =	sadd.s32 $0x400, s26  }
0x34: {  	[tilespmem:s18], [sflag:$0x2] =	stream.indirect.gather [hbm4b:s4+s16], $0x80, s28, s16, $0xb8;
	[tilespmem:$0x1E800] =	vst v63  }
0x35: {  	p0 =	sne.s32 s26, $0x4800;
	_ =	swait.ge [sflag:s19], $0x4000  }
0x36: {  	[sflag:s19] =	ssyncset.done $0x0  }
0x37: {  	s26 =	sadd.s32 $0x1400, s25;
	[sflag:s19] =	ssyncadd.s32 $0xFFFFC000  }
0x38: {  	[spmem:s2] =	stream.indirect.scatter.add.f32 [tilespmem:s17], [sflag:$0x3], $0x80, s26, s16, $0xb8;
	[tilespmem:$0x1E800] =	vst v63  }
0x39: {  	_ =	swait.ge [sflag:s14], $0x4000  }
0x3a: {  	[sflag:s14] =	ssyncset.done $0x0  }
0x3b: {  	s26 =	sadd.s32 $0x100, s25;
	[sflag:s14] =	ssyncadd.s32 $0xFFFFC000  }
0x3c: {  	[tilespmem:s17], [sflag:$0x1] =	stream.indirect.gather [hbm4b:s4+s16], $0x80, s26, s16, $0xb8;
	[tilespmem:$0x1E800] =	vst v63  }
0x3d: {  	_ =	swait.ge [sflag:s20], $0x4000  }
.Ltmp0:
0x3e: {  	[sflag:s20] =	ssyncset.done $0x0;
	(pc) =	sbr.rel @p0 .LBB2_2-.Ltmp0, $4  }
0x3f: {  	s25 =	sadd.s32 $0x1480, s25;
	[sflag:s20] =	ssyncadd.s32 $0xFFFFC000  }
0x40: {  	[spmem:s2] =	stream.indirect.scatter.add.f32 [tilespmem:s18], [sflag:$0x3], $0x80, s25, s16, $0xb8;
	[tilespmem:$0x1E800] =	vst v63  }
0x41: {  	_ =	swait.ge [sflag:s14], $0x4000  }
0x42: {  	s26 =	smov.u32 s30;
	s25 =	sshra.s32 s29, $0x2;
	[sflag:s14] =	ssyncset.done $0x0  }
0x43: {  	s26 =	sadd.s32 $0x80, s25;
	[sflag:s14] =	ssyncadd.s32 $0xFFFFC000  }
0x44: {  	[tilespmem:s18], [sflag:$0x2] =	stream.indirect.gather [hbm4b:s4+s16], $0x80, s26, s16, $0xb8;
	[tilespmem:$0x1E800] =	vst v63  }
0x45: {  	_ =	swait.ge [sflag:s19], $0x4000  }
0x46: {  	[sflag:s19] =	ssyncset.done $0x0  }
0x47: {  	s29 =	sadd.s32 $0x1400, s25;
	[sflag:s19] =	ssyncadd.s32 $0xFFFFC000  }
0x48: {  	[spmem:s2] =	stream.indirect.scatter.add.f32 [tilespmem:s17], [sflag:$0x3], $0x80, s29, s16, $0xb8;
	[tilespmem:$0x1E800] =	vst v63  }
0x49: {  	_ =	swait.ge [sflag:s14], $0x4000  }
0x4a: {  	[sflag:s14] =	ssyncset.done $0x0  }
0x4b: {  	s30 =	sadd.s32 $0x100, s25;
	[sflag:s14] =	ssyncadd.s32 $0xFFFFC000  }
0x4c: {  	[tilespmem:s17], [sflag:$0x1] =	stream.indirect.gather [hbm4b:s4+s16], $0x80, s30, s16, $0xb8;
	[tilespmem:$0x1E800] =	vst v63  }
0x4d: {  	_ =	swait.ge [sflag:s20], $0x4000  }
0x4e: {  	[sflag:s20] =	ssyncset.done $0x0  }
0x4f: {  	s31 =	sadd.s32 $0x1480, s25;
	[sflag:s20] =	ssyncadd.s32 $0xFFFFC000  }
0x50: {  	[spmem:s2] =	stream.indirect.scatter.add.f32 [tilespmem:s18], [sflag:$0x3], $0x80, s31, s16, $0xb8;
	[tilespmem:$0x1E800] =	vst v63  }
0x51: {  	_ =	swait.ge [sflag:s14], $0x4000  }
0x52: {  	[sflag:s14] =	ssyncset.done $0x0  }
0x53: {  	[sflag:s14] =	ssyncadd.s32 $0xFFFFC000  }
0x54: {  	[tilespmem:s18], [sflag:$0x2] =	stream.indirect.gather [hbm4b:s4+s16], $0x80, s21, s16, $0xb8;
	[tilespmem:$0x1E800] =	vst v63  }
0x55: {  	_ =	swait.ge [sflag:s19], $0x4000  }
0x56: {  	[sflag:s19] =	ssyncset.done $0x0  }
0x57: {  	[sflag:s19] =	ssyncadd.s32 $0xFFFFC000  }
0x58: {  	[spmem:s2] =	stream.indirect.scatter.add.f32 [tilespmem:s17], [sflag:$0x3], $0x80, s22, s16, $0xb8;
	[tilespmem:$0x1E800] =	vst v63  }
0x59: {  	_ =	swait.ge [sflag:s14], $0x4000  }
0x5a: {  	[sflag:s14] =	ssyncset.done $0x0  }
0x5b: {  	[sflag:s14] =	ssyncadd.s32 $0xFFFFC000  }
0x5c: {  	_ =	swait.ge [sflag:s20], $0x4000  }
0x5d: {  	[sflag:s20] =	ssyncset.done $0x0  }
0x5e: {  	[sflag:s20] =	ssyncadd.s32 $0xFFFFC000  }
0x5f: {  	[spmem:s2] =	stream.indirect.scatter.add.f32 [tilespmem:s18], [sflag:$0x3], $0x80, s23, s16, $0xb8;
	[tilespmem:$0x1E800] =	vst v63  }
0x60: {  	_ =	swait.ge [sflag:s14], $0x4000  }
0x61: {  	[sflag:s14] =	ssyncset.done $0x0  }
0x62: {  	s26 =	simm.s32 $0x0;
	[sflag:s14] =	ssyncadd.s32 $0xFFFFC000  }
0x63: {  	[tilespmem:s26], [sflag:$0x3] =	stream.linear.gather [hbm4b:s9+s26], $0x1400, $0x38;
	[tilespmem:$0x1E800] =	vst v63  }
0x64: {  	_ =	swait.ge [sflag:s14], $0x1400  }
0x65: {  	[sflag:s14] =	ssyncset.done $0x0  }
0x66: {  	[sflag:s14] =	ssyncadd.s32 $0xFFFFEC00  }
0x67: {  	[tilespmem:s15], [sflag:$0x3] =	stream.linear.gather [hbm4b:s10+s26], $0x1400, $0x38;
	[tilespmem:$0x1E800] =	vst v63  }
0x68: {  	_ =	swait.ge [sflag:s14], $0x1400  }
0x69: {  	[sflag:s14] =	ssyncset.done $0x0  }
0x6a: {  	[sflag:s14] =	ssyncadd.s32 $0xFFFFEC00  }
0x6b: {  	[tilespmem:s17], [sflag:$0x1] =	stream.indirect.gather [hbm4b:s4+s16], $0x80, s26, s16, $0xb8;
	[tilespmem:$0x1E800] =	vst v63  }
0x6c: {  	s28 =	simm.s32 $0x80  }
0x6d: {  	[tilespmem:s18], [sflag:$0x2] =	stream.indirect.gather [hbm4b:s4+s16], $0x80, s28, s16, $0xb8;
	[tilespmem:$0x1E800] =	vst v63  }
0x6e: {  	_ =	swait.ge [sflag:s19], $0x4000  }
0x6f: {  	[sflag:s19] =	ssyncset.done $0x0  }
0x70: {  	s29 =	simm.s32 $0x1400;
	[sflag:s19] =	ssyncadd.s32 $0xFFFFC000  }
0x71: {  	[spmem:s2] =	stream.indirect.scatter.add.f32 [tilespmem:s17], [sflag:$0x3], $0x80, s29, s16, $0xb8;
	[tilespmem:$0x1E800] =	vst v63  }
0x72: {  	_ =	swait.ge [sflag:s14], $0x4000  }
0x73: {  	[sflag:s14] =	ssyncset.done $0x0  }
0x74: {  	s30 =	simm.s32 $0x100;
	[sflag:s14] =	ssyncadd.s32 $0xFFFFC000  }
0x75: {  	[tilespmem:s17], [sflag:$0x1] =	stream.indirect.gather [hbm4b:s4+s16], $0x80, s30, s16, $0xb8;
	[tilespmem:$0x1E800] =	vst v63  }
0x76: {  	_ =	swait.ge [sflag:s20], $0x4000  }
0x77: {  	[sflag:s20] =	ssyncset.done $0x0  }
0x78: {  	s31 =	simm.s32 $0x1480;
	[sflag:s20] =	ssyncadd.s32 $0xFFFFC000  }
0x79: {  	[spmem:s2] =	stream.indirect.scatter.add.f32 [tilespmem:s18], [sflag:$0x3], $0x80, s31, s16, $0xb8;
	[tilespmem:$0x1E800] =	vst v63  }
0x7a: {  	_ =	swait.ge [sflag:s14], $0x4000  }
0x7b: {  	s25 =	simm.s32 $0x100;
	s26 =	simm.s32 $0x800;
	[sflag:s14] =	ssyncset.done $0x0  }
.LBB2_4:
0x7c: {  	s28 =	sadd.s32 $0x80, s25  }
0x7d: {  	[sflag:s14] =	ssyncadd.s32 $0xFFFFC000;
	s29 =	smov.u32 s26;
	s30 =	sadd.s32 $0x400, s26  }
0x7e: {  	[tilespmem:s18], [sflag:$0x2] =	stream.indirect.gather [hbm4b:s4+s16], $0x80, s28, s16, $0xb8;
	[tilespmem:$0x1E800] =	vst v63  }
0x7f: {  	p0 =	sne.s32 s26, $0x4800;
	_ =	swait.ge [sflag:s19], $0x4000  }
0x80: {  	[sflag:s19] =	ssyncset.done $0x0  }
0x81: {  	s26 =	sadd.s32 $0x1400, s25;
	[sflag:s19] =	ssyncadd.s32 $0xFFFFC000  }
0x82: {  	[spmem:s2] =	stream.indirect.scatter.add.f32 [tilespmem:s17], [sflag:$0x3], $0x80, s26, s16, $0xb8;
	[tilespmem:$0x1E800] =	vst v63  }
0x83: {  	_ =	swait.ge [sflag:s14], $0x4000  }
0x84: {  	[sflag:s14] =	ssyncset.done $0x0  }
0x85: {  	s26 =	sadd.s32 $0x100, s25;
	[sflag:s14] =	ssyncadd.s32 $0xFFFFC000  }
0x86: {  	[tilespmem:s17], [sflag:$0x1] =	stream.indirect.gather [hbm4b:s4+s16], $0x80, s26, s16, $0xb8;
	[tilespmem:$0x1E800] =	vst v63  }
0x87: {  	_ =	swait.ge [sflag:s20], $0x4000  }
.Ltmp1:
0x88: {  	[sflag:s20] =	ssyncset.done $0x0;
	(pc) =	sbr.rel @p0 .LBB2_4-.Ltmp1, $4  }
0x89: {  	s25 =	sadd.s32 $0x1480, s25;
	[sflag:s20] =	ssyncadd.s32 $0xFFFFC000  }
0x8a: {  	[spmem:s2] =	stream.indirect.scatter.add.f32 [tilespmem:s18], [sflag:$0x3], $0x80, s25, s16, $0xb8;
	[tilespmem:$0x1E800] =	vst v63  }
0x8b: {  	_ =	swait.ge [sflag:s14], $0x4000  }
0x8c: {  	s26 =	smov.u32 s30;
	s25 =	sshra.s32 s29, $0x2;
	[sflag:s14] =	ssyncset.done $0x0  }
0x8d: {  	s26 =	sadd.s32 $0x80, s25;
	[sflag:s14] =	ssyncadd.s32 $0xFFFFC000  }
0x8e: {  	[tilespmem:s18], [sflag:$0x2] =	stream.indirect.gather [hbm4b:s4+s16], $0x80, s26, s16, $0xb8;
	[tilespmem:$0x1E800] =	vst v63  }
0x8f: {  	_ =	swait.ge [sflag:s19], $0x4000  }
0x90: {  	[sflag:s19] =	ssyncset.done $0x0  }
0x91: {  	s29 =	sadd.s32 $0x1400, s25;
	[sflag:s19] =	ssyncadd.s32 $0xFFFFC000  }
0x92: {  	[spmem:s2] =	stream.indirect.scatter.add.f32 [tilespmem:s17], [sflag:$0x3], $0x80, s29, s16, $0xb8;
	[tilespmem:$0x1E800] =	vst v63  }
0x93: {  	_ =	swait.ge [sflag:s14], $0x4000  }
0x94: {  	[sflag:s14] =	ssyncset.done $0x0  }
0x95: {  	s30 =	sadd.s32 $0x100, s25;
	[sflag:s14] =	ssyncadd.s32 $0xFFFFC000  }
0x96: {  	[tilespmem:s17], [sflag:$0x1] =	stream.indirect.gather [hbm4b:s4+s16], $0x80, s30, s16, $0xb8;
	[tilespmem:$0x1E800] =	vst v63  }
0x97: {  	_ =	swait.ge [sflag:s20], $0x4000  }
0x98: {  	[sflag:s20] =	ssyncset.done $0x0  }
0x99: {  	s31 =	sadd.s32 $0x1480, s25;
	[sflag:s20] =	ssyncadd.s32 $0xFFFFC000  }
0x9a: {  	[spmem:s2] =	stream.indirect.scatter.add.f32 [tilespmem:s18], [sflag:$0x3], $0x80, s31, s16, $0xb8;
	[tilespmem:$0x1E800] =	vst v63  }
0x9b: {  	_ =	swait.ge [sflag:s14], $0x4000  }
0x9c: {  	[sflag:s14] =	ssyncset.done $0x0  }
0x9d: {  	[sflag:s14] =	ssyncadd.s32 $0xFFFFC000  }
0x9e: {  	[tilespmem:s18], [sflag:$0x2] =	stream.indirect.gather [hbm4b:s4+s16], $0x80, s21, s16, $0xb8;
	[tilespmem:$0x1E800] =	vst v63  }
0x9f: {  	_ =	swait.ge [sflag:s19], $0x4000  }
0xa0: {  	[sflag:s19] =	ssyncset.done $0x0  }
0xa1: {  	[sflag:s19] =	ssyncadd.s32 $0xFFFFC000  }
0xa2: {  	[spmem:s2] =	stream.indirect.scatter.add.f32 [tilespmem:s17], [sflag:$0x3], $0x80, s22, s16, $0xb8;
	[tilespmem:$0x1E800] =	vst v63  }
0xa3: {  	_ =	swait.ge [sflag:s14], $0x4000  }
0xa4: {  	[sflag:s14] =	ssyncset.done $0x0  }
0xa5: {  	[sflag:s14] =	ssyncadd.s32 $0xFFFFC000  }
0xa6: {  	_ =	swait.ge [sflag:s20], $0x4000  }
0xa7: {  	[sflag:s20] =	ssyncset.done $0x0  }
0xa8: {  	[sflag:s20] =	ssyncadd.s32 $0xFFFFC000  }
0xa9: {  	[spmem:s2] =	stream.indirect.scatter.add.f32 [tilespmem:s18], [sflag:$0x3], $0x80, s23, s16, $0xb8;
	[tilespmem:$0x1E800] =	vst v63  }
0xaa: {  	_ =	swait.ge [sflag:s14], $0x4000  }
0xab: {  	s24 =	sadd.s32 $0x1, s24;
	[sflag:s14] =	ssyncset.done $0x0  }
0xac: {  	p0 =	sne.s32 s24, s12;
	[sflag:s14] =	ssyncadd.s32 $0xFFFFC000  }
.Ltmp2:
0xad: {  	[bflag:$0x0] =	sbarrier.arrive $0xFFFF;
	(pc) =	sbr.rel @p0 .LBB2_1-.Ltmp2, $4  }
0xae: {  	[hbm:s11], [sflag:s6] =	dma.local [spmem:s13], $0x2800  }
0xaf: {  	_ =	swait.ge [sflag:s14], $0x2800  }
0xb0: {  	[sflag:s14] =	ssyncset.done $0x0  }
0xb1: {  	[sflag:s14] =	ssyncadd.s32 $0xFFFFD800  }
0xb2: {  	_ =	sfence.sel $0x180000  }
0xb3: {  	[bflag:$0x0] =	sbarrier.arrive $0xFFFF  }
0xb4: {  	p0 =	sne.s32 s1, $0x0;
	_ =	strace $0x9000004A  }
0xb5: {  	s0 =	sadd.s32 @!p0 $0x100000, s0;
	[bflag:$0x2] =	sbarrier.arrive $0xFFFF  }
0xb6: {  	[sflag:s0] =	ssyncadd.tile.s32 @!p0 $0x1;
	_ =	shalt  }
.Lfunc_end2:
_tile_overlayer_lowered:
.L_overlay_start_2:
0xb7: {  	(tag) =	ssettag $0x2  }
0xb8: {  	s0 =	rddreg [dreg:$0x0];
	s2 =	stileid.u32  }
0xb9: {  	s1 =	rddreg [dreg:$0x1];
	p0 =	sne.s32 s2, $0x0  }
0xba: {  	s3 =	rddreg [dreg:$0x2];
	[bflag:$0x3] =	sbarrier.arrive $0xFFFF;
	s2 =	simm.s32 @!p0 $0x1C03  }
0xbb: {  	[timem:s3], [sflag:s2] =	dma.local @!p0 [hbm:s0], s1  }
0xbc: {  	s0 =	simm.s32 @!p0 $0x3  }
0xbd: {  	_ =	swait.ge @!p0 [sflag:s0], s1  }
0xbe: {  	s1 =	ssub.s32 @!p0 $0x0, s1;
	[sflag:s0] =	ssyncset.done @!p0 $0x0  }
0xbf: {  	[sflag:s0] =	ssyncadd.s32 @!p0 s1  }
0xc0: {  	[bflag:$0x3] =	sbarrier.arrive $0xFFFF  }
0xc1: {  	_ =	shalt  }

// kernel: kernel.14.cloned.1.call-start
scs
__scs_entry_jumppad:
0x0: {  	(pc) =	sbr.rel $0x88, $3  }
0x1: {  	(tag) =	ssettag $0x0;
	lr =	simm.s32 $0x1  }
0x2: {  	[smem:$0x3F9B] =	sst lr;
	_ =	strace $0xD0000000  }
0x3: {  	_ = 	snop  }
0x4: {  	_ = 	snop  }
0x5: {  	_ = 	snop  }
0x6: {  	_ = 	snop  }
0x7: {  	_ = 	snop  }
__scs_overlays_trampoline_lowered:
0x8: {  	[smem:$0x3FAA] =	sst s0  }
0x9: {  	[smem:$0x3FAB] =	sst s1  }
0xa: {  	[smem:$0x3FAC] =	sst s2  }
0xb: {  	[smem:$0x3FAD] =	sst s3  }
0xc: {  	[smem:$0x3FAE] =	sst s4  }
0xd: {  	[smem:$0x3FAF] =	sst s5  }
0xe: {  	[smem:$0x3FB0] =	sst s6  }
0xf: {  	[smem:$0x3FB1] =	sst s7  }
0x10: {  	[smem:$0x3FB2] =	sst s8  }
0x11: {  	[smem:$0x3FB3] =	sst s9;
	s0 =	simm.s32 @!p0 $0x0  }
0x12: {  	s1 =	sld [smem:$0x3F99];
	s0 =	simm.s32 @p0 $0x1  }
0x13: {  	[smem:$0x3FB4] =	sst s0;
	s0 =	simm.s32 @!p1 $0x0  }
0x14: {  	s2 =	sld [smem:$0x3F98];
	s0 =	simm.s32 @p1 $0x1  }
0x15: {  	[smem:$0x3FB5] =	sst s0;
	s0 =	simm.s32 @!p2 $0x0  }
0x16: {  	s3 =	sld [smem:$0x3FDB];
	s0 =	simm.s32 @p2 $0x1  }
0x17: {  	s4 =	simm.s32 $0x1BF5;
	[smem:$0x3FB7] =	sst s0  }
0x18: {  	s0 =	sld [smem:$0x3F9A];
	_ =	swait.ge [sflag:s4], $0x0  }
0x19: {  	s7 =	sld [smem:$0x3F9B]  }
0x1a: {  	s8 =	sadd.s32 $0xFFFFE003, lr  }
0x1b: {  	s9 =	sadd.s32 $0xFFFFFEF7, lr;
	s5 =	simm.s32 $0xFFFFFFFF;
	p2 =	slt.u32 s8, $0xFFFFF086  }
0x1c: {  	p1 =	slt.u32 s9, $0xF7A;
	s5 =	simm.s32 @!p2 $0x0  }
0x1d: {  	s5 =	simm.s32 @p1 $0x1;
	p0 =	seq.s32 s7, s2  }
0x1e: {  	s7 =	smul.u32 @!p0 $0xF7A, s2;
	p2 =	seq.s32 @!p0 s5, $0x0  }
0x1f: {  	s9 =	smul.u32 $0xF7A, s1;
	s8 =	simm.s32 @!p0 $0x1BF5;
	p2 =	por !p2, p0  }
0x20: {  	[sflag:s8] =	ssyncset.s32 @!p0 $0xFFFFF086;
	s6 =	sadd.s32 @!p0 s3, s7;
	s7 =	simm.s32 @!p0 $0x108  }
0x21: {  	s3 =	sadd.s32 s3, s9;
	s6 =	sadd.s32 @!p0 $0x88, s6;
	s7 =	simm.s32 @p2 $0x1082  }
0x22: {  	[simem:s7], [sflag:s8] =	dma.local @!p0 [hbm:s6], $0xF7A  }
0x23: {  	s9 =	sor.u32 $0xD0000000, s2;
	s6 =	simm.s32 $0x108;
	_ =	swait.ge @!p0 [sflag:s8], $0x0  }
0x24: {  	s3 =	sadd.s32 $0x88, s3;
	s6 =	simm.s32 @!p1 $0x1082;
	[sflag:s4] =	ssyncset.s32 $0xFFFFF086  }
0x25: {  	[simem:s6], [sflag:s4] =	dma.local [hbm:s3], $0xF7A  }
0x26: {  	[smem:$0x3F9B] =	sst s1;
	(tag) =	ssettag s2;
	_ =	strace s9  }
0x27: {  	s1 =	sld [smem:$0x3FAB]  }
0x28: {  	s2 =	sld [smem:$0x3FAC]  }
0x29: {  	s4 =	sld [smem:$0x3FAE]  }
0x2a: {  	p0 =	seq.s32 s5, $0x0;
	s5 =	sld [smem:$0x3FAF]  }
0x2b: {  	s6 =	sld [smem:$0x3FB0]  }
0x2c: {  	s7 =	sld [smem:$0x3FB1]  }
0x2d: {  	s3 =	simm.s32 $0x108;
	s8 =	sld [smem:$0x3FB2]  }
0x2e: {  	s3 =	simm.s32 @!p0 $0x1082;
	s9 =	sld [smem:$0x3FB3]  }
0x2f: {  	lr =	sadd.s32 s0, s3;
	s0 =	sld [smem:$0x3FAA]  }
0x30: {  	s3 =	sld [smem:$0x3FAD]  }
0x31: {  	[smem:$0x3FB6] =	sst s10  }
0x32: {  	s10 =	sld [smem:$0x3FB4];
	_ =	sdelay $0x3  }
0x33: {  	p0 =	seq.s32 s10, $0x1;
	s10 =	sld [smem:$0x3FB6];
	_ =	sdelay $0x3  }
0x34: {  	[smem:$0x3FB6] =	sst s10  }
0x35: {  	s10 =	sld [smem:$0x3FB5];
	_ =	sdelay $0x3  }
0x36: {  	p1 =	seq.s32 s10, $0x1;
	s10 =	sld [smem:$0x3FB6];
	_ =	sdelay $0x3  }
0x37: {  	[smem:$0x3FB6] =	sst s10  }
0x38: {  	s10 =	sld [smem:$0x3FB7]  }
0x39: {  	_ = 	snop;
	(pc) =	sbr.ind lr, $3  }
0x3a: {  	_ = 	snop  }
0x3b: {  	_ = 	snop  }
0x3c: {  	p2 =	seq.s32 s10, $0x1;
	s10 =	sld [smem:$0x3FB6]  }
0x3d: {  	_ =	shalt  }
0x3e: {  	_ =	shalt  }
0x3f: {  	_ =	shalt  }
0x40: {  	_ =	shalt  }
0x41: {  	_ =	shalt  }
0x42: {  	_ =	shalt  }
0x43: {  	_ =	shalt  }
0x44: {  	_ =	shalt  }
0x45: {  	_ =	shalt  }
0x46: {  	_ =	shalt  }
0x47: {  	_ =	shalt  }
0x48: {  	_ =	shalt  }
0x49: {  	_ =	shalt  }
0x4a: {  	_ =	shalt  }
0x4b: {  	_ =	shalt  }
0x4c: {  	_ =	shalt  }
0x4d: {  	_ =	shalt  }
0x4e: {  	_ =	shalt  }
0x4f: {  	_ =	shalt  }
0x50: {  	_ =	shalt  }
0x51: {  	_ =	shalt  }
0x52: {  	_ =	shalt  }
0x53: {  	_ =	shalt  }
0x54: {  	_ =	shalt  }
0x55: {  	_ =	shalt  }
0x56: {  	_ =	shalt  }
0x57: {  	_ =	shalt  }
0x58: {  	_ =	shalt  }
0x59: {  	_ =	shalt  }
0x5a: {  	_ =	shalt  }
0x5b: {  	_ =	shalt  }
0x5c: {  	_ =	shalt  }
0x5d: {  	_ =	shalt  }
0x5e: {  	_ =	shalt  }
0x5f: {  	_ =	shalt  }
0x60: {  	_ =	shalt  }
0x61: {  	_ =	shalt  }
0x62: {  	_ =	shalt  }
0x63: {  	_ =	shalt  }
0x64: {  	_ =	shalt  }
0x65: {  	_ =	shalt  }
0x66: {  	_ =	shalt  }
0x67: {  	_ =	shalt  }
0x68: {  	_ =	shalt  }
0x69: {  	_ =	shalt  }
0x6a: {  	_ =	shalt  }
0x6b: {  	_ =	shalt  }
0x6c: {  	_ =	shalt  }
0x6d: {  	_ =	shalt  }
0x6e: {  	_ =	shalt  }
0x6f: {  	_ =	shalt  }
0x70: {  	_ =	shalt  }
0x71: {  	_ =	shalt  }
0x72: {  	_ =	shalt  }
0x73: {  	_ =	shalt  }
0x74: {  	_ =	shalt  }
0x75: {  	_ =	shalt  }
0x76: {  	_ =	shalt  }
0x77: {  	_ =	shalt  }
0x78: {  	_ =	shalt  }
0x79: {  	_ =	shalt  }
0x7a: {  	_ =	shalt  }
0x7b: {  	_ =	shalt  }
0x7c: {  	_ =	shalt  }
0x7d: {  	_ =	shalt  }
0x7e: {  	_ =	shalt  }
0x7f: {  	_ =	shalt  }
0x80: {  	_ =	shalt  }
0x81: {  	_ =	shalt  }
0x82: {  	_ =	shalt  }
0x83: {  	_ =	shalt  }
0x84: {  	_ =	shalt  }
0x85: {  	_ =	shalt  }
0x86: {  	_ =	shalt  }
0x87: {  	_ =	shalt  }
.Lfunc_end0:
.L_simem_size_0:
called_computation.2_lowered:
.L_overlay_start_0:
0x88: {  	s2 =	sld [smem:$0x3FD9]  }
0x89: {  	s3 =	sld [smem:$0x3FFE];
	_ =	sdelay $0x1  }
0x8a: {  	s1 =	srdreg.scid  }
0x8b: {  	s0 =	sand.u32 $0x1, s1  }
0x8c: {  	s17 =	sshll.u32 s0, $0xA;
	s2 =	sadd.s32 s3, s2  }
0x8d: {  	s2 =	sadd.s32 s2, s17  }
0x8e: {  	[smem:$0x3FC2] =	sst s2  }
0x8f: {  	_ = 	snop  }
0x90: {  	s2 =	sld [smem:$0x3FD0];
	(tm) =	ssettm $0x1  }
0x91: {  	s18 =	sld [smem:$0x3FFB];
	_ =	sdelay $0x3  }
0x92: {  	_ =	strace s18  }
0x93: {  	s3 =	sld [smem:$0x3FFC];
	_ =	sdelay $0x3  }
0x94: {  	_ =	strace s3  }
0x95: {  	s3 =	sld [smem:$0x3FFD];
	_ =	sdelay $0x3  }
0x96: {  	_ =	strace s3  }
0x97: {  	_ =	strace $0x8FFFFFFF  }
0x98: {  	s19 =	sld [smem:$0x3FDB];
	_ =	sdelay $0x1  }
0x99: {  	s4 =	simm.s32 $_scs_section_size  }
0x9a: {  	s5 =	simm.s32 $_size__tile_overlayer_lowered;
	s6 =	simm.s32 $_tile_overlayer_lowered  }
0x9b: {  	s22 =	simm.s32 $0x1BFF;
	s21 =	sshll.u32 s6, $0x1;
	s3 =	sadd.s32 s4, s19  }
0x9c: {  	s7 =	simm.s32 $0x0;
	s20 =	sshll.u32 s5, $0x1;
	s5 =	sadd.s32 s21, s3  }
0x9d: {  	[timem:s7], [sflag:s22] =	dma.local [hbm:s5], s20  }
0x9e: {  	_ =	swait.ge [sflag:s22], s20  }
0x9f: {  	s4 =	ssub.s32 $0x0, s20;
	[sflag:s22] =	ssyncset.done $0x0  }
0xa0: {  	[sflag:s22] =	ssyncadd.s32 s4;
	_ =	sdelay $0x1  }
0xa1: {  	s23 =	simm.s32 $0x1B8B  }
0xa2: {  	_ =	swait.ge [sflag:s23], $0x1  }
0xa3: {  	[sflag:s23] =	ssyncset.done $0x0  }
0xa4: {  	s25 =	simm.s32 $0x1B8E;
	s24 =	sld [smem:$0x3FFE];
	[sflag:s23] =	ssyncadd.s32 $0xFFFFFFFF  }
0xa5: {  	s26 =	simm.s32 $execute0_lowered;
	[smem:$0x3FD2] =	sst s25  }
0xa6: {  	s5 =	sshll.u32 s26, $0x1;
	_ =	strace $0x8000004C;
	[dreg:$0x1] =	wrdreg $0xFFFFFFFF  }
0xa7: {  	s28 =	simm.s32 $_size_execute0_lowered;
	s3 =	sadd.s32 s3, s5;
	[dreg:$0x0] =	wrdreg $0x0  }
0xa8: {  	s5 =	sshll.u32 s28, $0x1;
	[dreg:$0x2] =	wrdreg s3  }
0xa9: {  	[dreg:$0x3] =	wrdreg s5  }
0xaa: {  	[dreg:$0x4] =	wrdreg $0xC0  }
0xab: {  	_ =	task [dreg:s7], $0x5FFFF  }
0xac: {  	[dreg:$0x1] =	wrdreg $0xFFFFFFFF  }
0xad: {  	[dreg:$0x0] =	wrdreg $0x60  }
0xae: {  	[dreg:$0x2] =	wrdreg s24  }
0xaf: {  	[dreg:$0x3] =	wrdreg s2  }
0xb0: {  	[dreg:$0x4] =	wrdreg $0xA8000  }
0xb1: {  	[dreg:$0x5] =	wrdreg $0x9  }
0xb2: {  	_ =	task.clear_ibuf [dreg:s7], $0x6FFFF;
	_ =	strace $0x9000004C  }
0xb3: {  	s29 =	simm.s32 $0x9;
	_ =	strace $0x8000004E  }
0xb4: {  	_ =	swait.ge [sflag:s29], $0x1  }
0xb5: {  	[sflag:s29] =	ssyncadd.s32 $0xFFFFFFFF  }
0xb6: {  	_ =	strace $0x9000004E  }
0xb7: {  	_ =	sfence  }
0xb8: {  	s30 =	sld [smem:$0x0];
	_ =	sdelay $0x2  }
0xb9: {  	s31 =	sshll.u32 s1, $0xD;
	s1 =	sshrl.u32 s1, $0x2  }
0xba: {  	s3 =	sand.u32 $0x4000, s31;
	s1 =	sadd.s32 s1, s30  }
0xbb: {  	s0 =	sor.u32 s3, s0;
	s1 =	sshll.u32 s1, $0x11  }
0xbc: {  	s0 =	sor.u32 s1, s0  }
0xbd: {  	s0 =	sadd.s32 $0x8F2B, s0  }
0xbe: {  	[sflag:s0] =	ssyncadd.remote.s32 $0x1  }
0xbf: {  	_ =	sfence.sel $0xFFFF  }
0xc0: {  	[dreg:$0x0] =	wrdreg $0xFFFFFFFF;
	(pc) =	sbr.abs _section_cstart, $3  }
0xc1: {  	[dreg:$0x1] =	wrdreg $0xFFFFFFFF  }
0xc2: {  	_ =	task.clear_ibuf [dreg:s7], $0x2FFFF;
	_ =	strace $0x9FFFFFFF  }
0xc3: {  	(tm) =	ssettm $0x7FFFFFFF  }
tec
execute0_lowered:
.L_overlay_start_1:
0x0: {  	(tag) =	ssettag $0x1  }
0x1: {  	s5 =	rddreg [dreg:$0x0]  }
0x2: {  	s10 =	rddreg [dreg:$0x1]  }
0x3: {  	s2 =	rddreg [dreg:$0x2]  }
0x4: {  	s0 =	rddreg [dreg:$0x3];
	s3 =	simm.s32 $0x0;
	s1 =	stileid.u32  }
0x5: {  	s4 =	srdreg.scid;
	s16 =	simm.s32 $0x80;
	s17 =	simm.s32 $0x2800  }
0x6: {  	s18 =	simm.s32 $0x6800;
	s19 =	simm.s32 $0x1;
	s20 =	simm.s32 $0x2  }
0x7: {  	s21 =	simm.s32 $0x1380;
	s22 =	simm.s32 $0x2700;
	s23 =	simm.s32 $0x2780  }
0x8: {  	s24 =	simm.s32 $0x0;
	[smem:$0x7FF] =	sst s3;
	s6 =	smul.u32 $0x14000, s1  }
0x9: {  	s7 =	sand.u32 $0x1, s4;
	s4 =	sadd.s32 $0xC800, s5;
	s9 =	sadd.s32 $0x2800, s5  }
0xa: {  	s12 =	smul.u32 $0x50000, s1;
	s30 =	sshll.u32 s1, $0x6;
	_ =	strace $0x8000004D  }
0xb: {  	s8 =	smul.u32 $0x140000, s7;
	s28 =	sshll.u32 s7, $0x4;
	s7 =	ssub.s32 $0x2, s7  }
0xc: {  	s11 =	sshrl.u32 s6, $0x3;
	s13 =	sshrl.u32 s7, $0x1;
	s29 =	sshrl.u32 s12, $0x2  }
0xd: {  	s11 =	sadd.s32 s11, s5;
	s6 =	sadd.s32 s6, s8;
	s8 =	sor.u32 s1, s28  }
0xe: {  	s13 =	ssub.s32 s7, s13;
	s15 =	sadd.s32 s29, s2;
	s6 =	sshrl.u32 s6, $0x3  }
0xf: {  	s8 =	smul.u32 $0x2800, s8;
	s12 =	smax.u32 s13, $0x1;
	s13 =	sshrl.u32 s15, $0x3  }
0x10: {  	s15 =	simm.s32 $0x1400;
	s14 =	sadd.s32 s6, s5;
	s5 =	sadd.s32 $0x34800, s11  }
0x11: {  	s6 =	sor.u32 $0x1C03, s30;
	s8 =	sshrl.u32 s8, $0x3;
	s11 =	sadd.s32 $0x5C800, s14  }
0x12: {  	s14 =	simm.s32 $0x3;
	s31 =	sadd.s32 $0x280, s8;
	s7 =	sadd.s32 s9, s8  }
0x13: {  	s8 =	sadd.s32 s10, s8;
	s9 =	sadd.s32 s9, s31;
	s10 =	sadd.s32 s10, s31  }
.LBB2_1:
0x14: {  	[spmem:s13], [sflag:s6] =	dma.local [hbm:s5], $0x2800  }
0x15: {  	_ =	swait.ge [sflag:s14], $0x2800  }
0x16: {  	[sflag:s14] =	ssyncset.done $0x0  }
0x17: {  	[sflag:s14] =	ssyncadd.s32 $0xFFFFD800  }
0x18: {  	[bflag:$0x0] =	sbarrier.arrive $0xFFFF  }
0x19: {  	[tilespmem:s3], [sflag:$0x3] =	stream.linear.gather [hbm4b:s7+s3], $0x1400, $0x38;
	[tilespmem:$0x1E800] =	vst v63  }
0x1a: {  	_ =	swait.ge [sflag:s14], $0x1400  }
0x1b: {  	[sflag:s14] =	ssyncset.done $0x0  }
0x1c: {  	[sflag:s14] =	ssyncadd.s32 $0xFFFFEC00  }
0x1d: {  	[tilespmem:s15], [sflag:$0x3] =	stream.linear.gather [hbm4b:s8+s3], $0x1400, $0x38;
	[tilespmem:$0x1E800] =	vst v63  }
0x1e: {  	_ =	swait.ge [sflag:s14], $0x1400  }
0x1f: {  	[sflag:s14] =	ssyncset.done $0x0  }
0x20: {  	[sflag:s14] =	ssyncadd.s32 $0xFFFFEC00  }
0x21: {  	[tilespmem:s17], [sflag:$0x1] =	stream.indirect.gather [hbm4b:s4+s16], $0x80, s3, s16, $0xb8;
	[tilespmem:$0x1E800] =	vst v63  }
0x22: {  	s25 =	simm.s32 $0x80  }
0x23: {  	[tilespmem:s18], [sflag:$0x2] =	stream.indirect.gather [hbm4b:s4+s16], $0x80, s25, s16, $0xb8;
	[tilespmem:$0x1E800] =	vst v63  }
0x24: {  	_ =	swait.ge [sflag:s19], $0x4000  }
0x25: {  	[sflag:s19] =	ssyncset.done $0x0  }
0x26: {  	s29 =	simm.s32 $0x1400;
	[sflag:s19] =	ssyncadd.s32 $0xFFFFC000  }
0x27: {  	[spmem:s2] =	stream.indirect.scatter.add.f32 [tilespmem:s17], [sflag:$0x3], $0x80, s29, s16, $0xb8;
	[tilespmem:$0x1E800] =	vst v63  }
0x28: {  	_ =	swait.ge [sflag:s14], $0x4000  }
0x29: {  	[sflag:s14] =	ssyncset.done $0x0  }
0x2a: {  	s30 =	simm.s32 $0x100;
	[sflag:s14] =	ssyncadd.s32 $0xFFFFC000  }
0x2b: {  	[tilespmem:s17], [sflag:$0x1] =	stream.indirect.gather [hbm4b:s4+s16], $0x80, s30, s16, $0xb8;
	[tilespmem:$0x1E800] =	vst v63  }
0x2c: {  	_ =	swait.ge [sflag:s20], $0x4000  }
0x2d: {  	[sflag:s20] =	ssyncset.done $0x0  }
0x2e: {  	s31 =	simm.s32 $0x1480;
	[sflag:s20] =	ssyncadd.s32 $0xFFFFC000  }
0x2f: {  	[spmem:s2] =	stream.indirect.scatter.add.f32 [tilespmem:s18], [sflag:$0x3], $0x80, s31, s16, $0xb8;
	[tilespmem:$0x1E800] =	vst v63  }
0x30: {  	_ =	swait.ge [sflag:s14], $0x4000  }
0x31: {  	s26 =	simm.s32 $0x800;
	s25 =	simm.s32 $0x100;
	[sflag:s14] =	ssyncset.done $0x0  }
.LBB2_2:
0x32: {  	s28 =	sadd.s32 $0x80, s25  }
0x33: {  	[sflag:s14] =	ssyncadd.s32 $0xFFFFC000;
	s29 =	smov.u32 s26;
	s30 =	sadd.s32 $0x400, s26  }
0x34: {  	[tilespmem:s18], [sflag:$0x2] =	stream.indirect.gather [hbm4b:s4+s16], $0x80, s28, s16, $0xb8;
	[tilespmem:$0x1E800] =	vst v63  }
0x35: {  	p0 =	sne.s32 s26, $0x4800;
	_ =	swait.ge [sflag:s19], $0x4000  }
0x36: {  	[sflag:s19] =	ssyncset.done $0x0  }
0x37: {  	s26 =	sadd.s32 $0x1400, s25;
	[sflag:s19] =	ssyncadd.s32 $0xFFFFC000  }
0x38: {  	[spmem:s2] =	stream.indirect.scatter.add.f32 [tilespmem:s17], [sflag:$0x3], $0x80, s26, s16, $0xb8;
	[tilespmem:$0x1E800] =	vst v63  }
0x39: {  	_ =	swait.ge [sflag:s14], $0x4000  }
0x3a: {  	[sflag:s14] =	ssyncset.done $0x0  }
0x3b: {  	s26 =	sadd.s32 $0x100, s25;
	[sflag:s14] =	ssyncadd.s32 $0xFFFFC000  }
0x3c: {  	[tilespmem:s17], [sflag:$0x1] =	stream.indirect.gather [hbm4b:s4+s16], $0x80, s26, s16, $0xb8;
	[tilespmem:$0x1E800] =	vst v63  }
0x3d: {  	_ =	swait.ge [sflag:s20], $0x4000  }
.Ltmp0:
0x3e: {  	[sflag:s20] =	ssyncset.done $0x0;
	(pc) =	sbr.rel @p0 .LBB2_2-.Ltmp0, $4  }
0x3f: {  	s25 =	sadd.s32 $0x1480, s25;
	[sflag:s20] =	ssyncadd.s32 $0xFFFFC000  }
0x40: {  	[spmem:s2] =	stream.indirect.scatter.add.f32 [tilespmem:s18], [sflag:$0x3], $0x80, s25, s16, $0xb8;
	[tilespmem:$0x1E800] =	vst v63  }
0x41: {  	_ =	swait.ge [sflag:s14], $0x4000  }
0x42: {  	s26 =	smov.u32 s30;
	s25 =	sshra.s32 s29, $0x2;
	[sflag:s14] =	ssyncset.done $0x0  }
0x43: {  	s26 =	sadd.s32 $0x80, s25;
	[sflag:s14] =	ssyncadd.s32 $0xFFFFC000  }
0x44: {  	[tilespmem:s18], [sflag:$0x2] =	stream.indirect.gather [hbm4b:s4+s16], $0x80, s26, s16, $0xb8;
	[tilespmem:$0x1E800] =	vst v63  }
0x45: {  	_ =	swait.ge [sflag:s19], $0x4000  }
0x46: {  	[sflag:s19] =	ssyncset.done $0x0  }
0x47: {  	s29 =	sadd.s32 $0x1400, s25;
	[sflag:s19] =	ssyncadd.s32 $0xFFFFC000  }
0x48: {  	[spmem:s2] =	stream.indirect.scatter.add.f32 [tilespmem:s17], [sflag:$0x3], $0x80, s29, s16, $0xb8;
	[tilespmem:$0x1E800] =	vst v63  }
0x49: {  	_ =	swait.ge [sflag:s14], $0x4000  }
0x4a: {  	[sflag:s14] =	ssyncset.done $0x0  }
0x4b: {  	s30 =	sadd.s32 $0x100, s25;
	[sflag:s14] =	ssyncadd.s32 $0xFFFFC000  }
0x4c: {  	[tilespmem:s17], [sflag:$0x1] =	stream.indirect.gather [hbm4b:s4+s16], $0x80, s30, s16, $0xb8;
	[tilespmem:$0x1E800] =	vst v63  }
0x4d: {  	_ =	swait.ge [sflag:s20], $0x4000  }
0x4e: {  	[sflag:s20] =	ssyncset.done $0x0  }
0x4f: {  	s31 =	sadd.s32 $0x1480, s25;
	[sflag:s20] =	ssyncadd.s32 $0xFFFFC000  }
0x50: {  	[spmem:s2] =	stream.indirect.scatter.add.f32 [tilespmem:s18], [sflag:$0x3], $0x80, s31, s16, $0xb8;
	[tilespmem:$0x1E800] =	vst v63  }
0x51: {  	_ =	swait.ge [sflag:s14], $0x4000  }
0x52: {  	[sflag:s14] =	ssyncset.done $0x0  }
0x53: {  	[sflag:s14] =	ssyncadd.s32 $0xFFFFC000  }
0x54: {  	[tilespmem:s18], [sflag:$0x2] =	stream.indirect.gather [hbm4b:s4+s16], $0x80, s21, s16, $0xb8;
	[tilespmem:$0x1E800] =	vst v63  }
0x55: {  	_ =	swait.ge [sflag:s19], $0x4000  }
0x56: {  	[sflag:s19] =	ssyncset.done $0x0  }
0x57: {  	[sflag:s19] =	ssyncadd.s32 $0xFFFFC000  }
0x58: {  	[spmem:s2] =	stream.indirect.scatter.add.f32 [tilespmem:s17], [sflag:$0x3], $0x80, s22, s16, $0xb8;
	[tilespmem:$0x1E800] =	vst v63  }
0x59: {  	_ =	swait.ge [sflag:s14], $0x4000  }
0x5a: {  	[sflag:s14] =	ssyncset.done $0x0  }
0x5b: {  	[sflag:s14] =	ssyncadd.s32 $0xFFFFC000  }
0x5c: {  	_ =	swait.ge [sflag:s20], $0x4000  }
0x5d: {  	[sflag:s20] =	ssyncset.done $0x0  }
0x5e: {  	[sflag:s20] =	ssyncadd.s32 $0xFFFFC000  }
0x5f: {  	[spmem:s2] =	stream.indirect.scatter.add.f32 [tilespmem:s18], [sflag:$0x3], $0x80, s23, s16, $0xb8;
	[tilespmem:$0x1E800] =	vst v63  }
0x60: {  	_ =	swait.ge [sflag:s14], $0x4000  }
0x61: {  	[sflag:s14] =	ssyncset.done $0x0  }
0x62: {  	s26 =	simm.s32 $0x0;
	[sflag:s14] =	ssyncadd.s32 $0xFFFFC000  }
0x63: {  	[tilespmem:s26], [sflag:$0x3] =	stream.linear.gather [hbm4b:s9+s26], $0x1400, $0x38;
	[tilespmem:$0x1E800] =	vst v63  }
0x64: {  	_ =	swait.ge [sflag:s14], $0x1400  }
0x65: {  	[sflag:s14] =	ssyncset.done $0x0  }
0x66: {  	[sflag:s14] =	ssyncadd.s32 $0xFFFFEC00  }
0x67: {  	[tilespmem:s15], [sflag:$0x3] =	stream.linear.gather [hbm4b:s10+s26], $0x1400, $0x38;
	[tilespmem:$0x1E800] =	vst v63  }
0x68: {  	_ =	swait.ge [sflag:s14], $0x1400  }
0x69: {  	[sflag:s14] =	ssyncset.done $0x0  }
0x6a: {  	[sflag:s14] =	ssyncadd.s32 $0xFFFFEC00  }
0x6b: {  	[tilespmem:s17], [sflag:$0x1] =	stream.indirect.gather [hbm4b:s4+s16], $0x80, s26, s16, $0xb8;
	[tilespmem:$0x1E800] =	vst v63  }
0x6c: {  	s28 =	simm.s32 $0x80  }
0x6d: {  	[tilespmem:s18], [sflag:$0x2] =	stream.indirect.gather [hbm4b:s4+s16], $0x80, s28, s16, $0xb8;
	[tilespmem:$0x1E800] =	vst v63  }
0x6e: {  	_ =	swait.ge [sflag:s19], $0x4000  }
0x6f: {  	[sflag:s19] =	ssyncset.done $0x0  }
0x70: {  	s29 =	simm.s32 $0x1400;
	[sflag:s19] =	ssyncadd.s32 $0xFFFFC000  }
0x71: {  	[spmem:s2] =	stream.indirect.scatter.add.f32 [tilespmem:s17], [sflag:$0x3], $0x80, s29, s16, $0xb8;
	[tilespmem:$0x1E800] =	vst v63  }
0x72: {  	_ =	swait.ge [sflag:s14], $0x4000  }
0x73: {  	[sflag:s14] =	ssyncset.done $0x0  }
0x74: {  	s30 =	simm.s32 $0x100;
	[sflag:s14] =	ssyncadd.s32 $0xFFFFC000  }
0x75: {  	[tilespmem:s17], [sflag:$0x1] =	stream.indirect.gather [hbm4b:s4+s16], $0x80, s30, s16, $0xb8;
	[tilespmem:$0x1E800] =	vst v63  }
0x76: {  	_ =	swait.ge [sflag:s20], $0x4000  }
0x77: {  	[sflag:s20] =	ssyncset.done $0x0  }
0x78: {  	s31 =	simm.s32 $0x1480;
	[sflag:s20] =	ssyncadd.s32 $0xFFFFC000  }
0x79: {  	[spmem:s2] =	stream.indirect.scatter.add.f32 [tilespmem:s18], [sflag:$0x3], $0x80, s31, s16, $0xb8;
	[tilespmem:$0x1E800] =	vst v63  }
0x7a: {  	_ =	swait.ge [sflag:s14], $0x4000  }
0x7b: {  	s25 =	simm.s32 $0x100;
	s26 =	simm.s32 $0x800;
	[sflag:s14] =	ssyncset.done $0x0  }
.LBB2_4:
0x7c: {  	s28 =	sadd.s32 $0x80, s25  }
0x7d: {  	[sflag:s14] =	ssyncadd.s32 $0xFFFFC000;
	s29 =	smov.u32 s26;
	s30 =	sadd.s32 $0x400, s26  }
0x7e: {  	[tilespmem:s18], [sflag:$0x2] =	stream.indirect.gather [hbm4b:s4+s16], $0x80, s28, s16, $0xb8;
	[tilespmem:$0x1E800] =	vst v63  }
0x7f: {  	p0 =	sne.s32 s26, $0x4800;
	_ =	swait.ge [sflag:s19], $0x4000  }
0x80: {  	[sflag:s19] =	ssyncset.done $0x0  }
0x81: {  	s26 =	sadd.s32 $0x1400, s25;
	[sflag:s19] =	ssyncadd.s32 $0xFFFFC000  }
0x82: {  	[spmem:s2] =	stream.indirect.scatter.add.f32 [tilespmem:s17], [sflag:$0x3], $0x80, s26, s16, $0xb8;
	[tilespmem:$0x1E800] =	vst v63  }
0x83: {  	_ =	swait.ge [sflag:s14], $0x4000  }
0x84: {  	[sflag:s14] =	ssyncset.done $0x0  }
0x85: {  	s26 =	sadd.s32 $0x100, s25;
	[sflag:s14] =	ssyncadd.s32 $0xFFFFC000  }
0x86: {  	[tilespmem:s17], [sflag:$0x1] =	stream.indirect.gather [hbm4b:s4+s16], $0x80, s26, s16, $0xb8;
	[tilespmem:$0x1E800] =	vst v63  }
0x87: {  	_ =	swait.ge [sflag:s20], $0x4000  }
.Ltmp1:
0x88: {  	[sflag:s20] =	ssyncset.done $0x0;
	(pc) =	sbr.rel @p0 .LBB2_4-.Ltmp1, $4  }
0x89: {  	s25 =	sadd.s32 $0x1480, s25;
	[sflag:s20] =	ssyncadd.s32 $0xFFFFC000  }
0x8a: {  	[spmem:s2] =	stream.indirect.scatter.add.f32 [tilespmem:s18], [sflag:$0x3], $0x80, s25, s16, $0xb8;
	[tilespmem:$0x1E800] =	vst v63  }
0x8b: {  	_ =	swait.ge [sflag:s14], $0x4000  }
0x8c: {  	s26 =	smov.u32 s30;
	s25 =	sshra.s32 s29, $0x2;
	[sflag:s14] =	ssyncset.done $0x0  }
0x8d: {  	s26 =	sadd.s32 $0x80, s25;
	[sflag:s14] =	ssyncadd.s32 $0xFFFFC000  }
0x8e: {  	[tilespmem:s18], [sflag:$0x2] =	stream.indirect.gather [hbm4b:s4+s16], $0x80, s26, s16, $0xb8;
	[tilespmem:$0x1E800] =	vst v63  }
0x8f: {  	_ =	swait.ge [sflag:s19], $0x4000  }
0x90: {  	[sflag:s19] =	ssyncset.done $0x0  }
0x91: {  	s29 =	sadd.s32 $0x1400, s25;
	[sflag:s19] =	ssyncadd.s32 $0xFFFFC000  }
0x92: {  	[spmem:s2] =	stream.indirect.scatter.add.f32 [tilespmem:s17], [sflag:$0x3], $0x80, s29, s16, $0xb8;
	[tilespmem:$0x1E800] =	vst v63  }
0x93: {  	_ =	swait.ge [sflag:s14], $0x4000  }
0x94: {  	[sflag:s14] =	ssyncset.done $0x0  }
0x95: {  	s30 =	sadd.s32 $0x100, s25;
	[sflag:s14] =	ssyncadd.s32 $0xFFFFC000  }
0x96: {  	[tilespmem:s17], [sflag:$0x1] =	stream.indirect.gather [hbm4b:s4+s16], $0x80, s30, s16, $0xb8;
	[tilespmem:$0x1E800] =	vst v63  }
0x97: {  	_ =	swait.ge [sflag:s20], $0x4000  }
0x98: {  	[sflag:s20] =	ssyncset.done $0x0  }
0x99: {  	s31 =	sadd.s32 $0x1480, s25;
	[sflag:s20] =	ssyncadd.s32 $0xFFFFC000  }
0x9a: {  	[spmem:s2] =	stream.indirect.scatter.add.f32 [tilespmem:s18], [sflag:$0x3], $0x80, s31, s16, $0xb8;
	[tilespmem:$0x1E800] =	vst v63  }
0x9b: {  	_ =	swait.ge [sflag:s14], $0x4000  }
0x9c: {  	[sflag:s14] =	ssyncset.done $0x0  }
0x9d: {  	[sflag:s14] =	ssyncadd.s32 $0xFFFFC000  }
0x9e: {  	[tilespmem:s18], [sflag:$0x2] =	stream.indirect.gather [hbm4b:s4+s16], $0x80, s21, s16, $0xb8;
	[tilespmem:$0x1E800] =	vst v63  }
0x9f: {  	_ =	swait.ge [sflag:s19], $0x4000  }
0xa0: {  	[sflag:s19] =	ssyncset.done $0x0  }
0xa1: {  	[sflag:s19] =	ssyncadd.s32 $0xFFFFC000  }
0xa2: {  	[spmem:s2] =	stream.indirect.scatter.add.f32 [tilespmem:s17], [sflag:$0x3], $0x80, s22, s16, $0xb8;
	[tilespmem:$0x1E800] =	vst v63  }
0xa3: {  	_ =	swait.ge [sflag:s14], $0x4000  }
0xa4: {  	[sflag:s14] =	ssyncset.done $0x0  }
0xa5: {  	[sflag:s14] =	ssyncadd.s32 $0xFFFFC000  }
0xa6: {  	_ =	swait.ge [sflag:s20], $0x4000  }
0xa7: {  	[sflag:s20] =	ssyncset.done $0x0  }
0xa8: {  	[sflag:s20] =	ssyncadd.s32 $0xFFFFC000  }
0xa9: {  	[spmem:s2] =	stream.indirect.scatter.add.f32 [tilespmem:s18], [sflag:$0x3], $0x80, s23, s16, $0xb8;
	[tilespmem:$0x1E800] =	vst v63  }
0xaa: {  	_ =	swait.ge [sflag:s14], $0x4000  }
0xab: {  	s24 =	sadd.s32 $0x1, s24;
	[sflag:s14] =	ssyncset.done $0x0  }
0xac: {  	p0 =	sne.s32 s24, s12;
	[sflag:s14] =	ssyncadd.s32 $0xFFFFC000  }
.Ltmp2:
0xad: {  	[bflag:$0x0] =	sbarrier.arrive $0xFFFF;
	(pc) =	sbr.rel @p0 .LBB2_1-.Ltmp2, $4  }
0xae: {  	[hbm:s11], [sflag:s6] =	dma.local [spmem:s13], $0x2800  }
0xaf: {  	_ =	swait.ge [sflag:s14], $0x2800  }
0xb0: {  	[sflag:s14] =	ssyncset.done $0x0  }
0xb1: {  	[sflag:s14] =	ssyncadd.s32 $0xFFFFD800  }
0xb2: {  	_ =	sfence.sel $0x180000  }
0xb3: {  	[bflag:$0x0] =	sbarrier.arrive $0xFFFF  }
0xb4: {  	p0 =	sne.s32 s1, $0x0;
	_ =	strace $0x9000004D  }
0xb5: {  	s0 =	sadd.s32 @!p0 $0x100000, s0;
	[bflag:$0x2] =	sbarrier.arrive $0xFFFF  }
0xb6: {  	[sflag:s0] =	ssyncadd.tile.s32 @!p0 $0x1;
	_ =	shalt  }
.Lfunc_end2:
_tile_overlayer_lowered:
.L_overlay_start_2:
0xb7: {  	(tag) =	ssettag $0x2  }
0xb8: {  	s0 =	rddreg [dreg:$0x0];
	s2 =	stileid.u32  }
0xb9: {  	s1 =	rddreg [dreg:$0x1];
	p0 =	sne.s32 s2, $0x0  }
0xba: {  	s3 =	rddreg [dreg:$0x2];
	[bflag:$0x3] =	sbarrier.arrive $0xFFFF;
	s2 =	simm.s32 @!p0 $0x1C03  }
0xbb: {  	[timem:s3], [sflag:s2] =	dma.local @!p0 [hbm:s0], s1  }
0xbc: {  	s0 =	simm.s32 @!p0 $0x3  }
0xbd: {  	_ =	swait.ge @!p0 [sflag:s0], s1  }
0xbe: {  	s1 =	ssub.s32 @!p0 $0x0, s1;
	[sflag:s0] =	ssyncset.done @!p0 $0x0  }
0xbf: {  	[sflag:s0] =	ssyncadd.s32 @!p0 s1  }
0xc0: {  	[bflag:$0x3] =	sbarrier.arrive $0xFFFF  }
0xc1: {  	_ =	shalt  }

// kernel: kernel.8.cloned.1.call-start
scs
__scs_entry_jumppad:
0x0: {  	(pc) =	sbr.rel $0x88, $3  }
0x1: {  	(tag) =	ssettag $0x0;
	lr =	simm.s32 $0x1  }
0x2: {  	[smem:$0x3F9B] =	sst lr;
	_ =	strace $0xD0000000  }
0x3: {  	_ = 	snop  }
0x4: {  	_ = 	snop  }
0x5: {  	_ = 	snop  }
0x6: {  	_ = 	snop  }
0x7: {  	_ = 	snop  }
__scs_overlays_trampoline_lowered:
0x8: {  	[smem:$0x3FAA] =	sst s0  }
0x9: {  	[smem:$0x3FAB] =	sst s1  }
0xa: {  	[smem:$0x3FAC] =	sst s2  }
0xb: {  	[smem:$0x3FAD] =	sst s3  }
0xc: {  	[smem:$0x3FAE] =	sst s4  }
0xd: {  	[smem:$0x3FAF] =	sst s5  }
0xe: {  	[smem:$0x3FB0] =	sst s6  }
0xf: {  	[smem:$0x3FB1] =	sst s7  }
0x10: {  	[smem:$0x3FB2] =	sst s8  }
0x11: {  	[smem:$0x3FB3] =	sst s9;
	s0 =	simm.s32 @!p0 $0x0  }
0x12: {  	s1 =	sld [smem:$0x3F99];
	s0 =	simm.s32 @p0 $0x1  }
0x13: {  	[smem:$0x3FB4] =	sst s0;
	s0 =	simm.s32 @!p1 $0x0  }
0x14: {  	s2 =	sld [smem:$0x3F98];
	s0 =	simm.s32 @p1 $0x1  }
0x15: {  	[smem:$0x3FB5] =	sst s0;
	s0 =	simm.s32 @!p2 $0x0  }
0x16: {  	s3 =	sld [smem:$0x3FDB];
	s0 =	simm.s32 @p2 $0x1  }
0x17: {  	s4 =	simm.s32 $0x1BF5;
	[smem:$0x3FB7] =	sst s0  }
0x18: {  	s0 =	sld [smem:$0x3F9A];
	_ =	swait.ge [sflag:s4], $0x0  }
0x19: {  	s7 =	sld [smem:$0x3F9B]  }
0x1a: {  	s8 =	sadd.s32 $0xFFFFE003, lr  }
0x1b: {  	s9 =	sadd.s32 $0xFFFFFEF7, lr;
	s5 =	simm.s32 $0xFFFFFFFF;
	p2 =	slt.u32 s8, $0xFFFFF086  }
0x1c: {  	p1 =	slt.u32 s9, $0xF7A;
	s5 =	simm.s32 @!p2 $0x0  }
0x1d: {  	s5 =	simm.s32 @p1 $0x1;
	p0 =	seq.s32 s7, s2  }
0x1e: {  	s7 =	smul.u32 @!p0 $0xF7A, s2;
	p2 =	seq.s32 @!p0 s5, $0x0  }
0x1f: {  	s9 =	smul.u32 $0xF7A, s1;
	s8 =	simm.s32 @!p0 $0x1BF5;
	p2 =	por !p2, p0  }
0x20: {  	[sflag:s8] =	ssyncset.s32 @!p0 $0xFFFFF086;
	s6 =	sadd.s32 @!p0 s3, s7;
	s7 =	simm.s32 @!p0 $0x108  }
0x21: {  	s3 =	sadd.s32 s3, s9;
	s6 =	sadd.s32 @!p0 $0x88, s6;
	s7 =	simm.s32 @p2 $0x1082  }
0x22: {  	[simem:s7], [sflag:s8] =	dma.local @!p0 [hbm:s6], $0xF7A  }
0x23: {  	s9 =	sor.u32 $0xD0000000, s2;
	s6 =	simm.s32 $0x108;
	_ =	swait.ge @!p0 [sflag:s8], $0x0  }
0x24: {  	s3 =	sadd.s32 $0x88, s3;
	s6 =	simm.s32 @!p1 $0x1082;
	[sflag:s4] =	ssyncset.s32 $0xFFFFF086  }
0x25: {  	[simem:s6], [sflag:s4] =	dma.local [hbm:s3], $0xF7A  }
0x26: {  	[smem:$0x3F9B] =	sst s1;
	(tag) =	ssettag s2;
	_ =	strace s9  }
0x27: {  	s1 =	sld [smem:$0x3FAB]  }
0x28: {  	s2 =	sld [smem:$0x3FAC]  }
0x29: {  	s4 =	sld [smem:$0x3FAE]  }
0x2a: {  	p0 =	seq.s32 s5, $0x0;
	s5 =	sld [smem:$0x3FAF]  }
0x2b: {  	s6 =	sld [smem:$0x3FB0]  }
0x2c: {  	s7 =	sld [smem:$0x3FB1]  }
0x2d: {  	s3 =	simm.s32 $0x108;
	s8 =	sld [smem:$0x3FB2]  }
0x2e: {  	s3 =	simm.s32 @!p0 $0x1082;
	s9 =	sld [smem:$0x3FB3]  }
0x2f: {  	lr =	sadd.s32 s0, s3;
	s0 =	sld [smem:$0x3FAA]  }
0x30: {  	s3 =	sld [smem:$0x3FAD]  }
0x31: {  	[smem:$0x3FB6] =	sst s10  }
0x32: {  	s10 =	sld [smem:$0x3FB4];
	_ =	sdelay $0x3  }
0x33: {  	p0 =	seq.s32 s10, $0x1;
	s10 =	sld [smem:$0x3FB6];
	_ =	sdelay $0x3  }
0x34: {  	[smem:$0x3FB6] =	sst s10  }
0x35: {  	s10 =	sld [smem:$0x3FB5];
	_ =	sdelay $0x3  }
0x36: {  	p1 =	seq.s32 s10, $0x1;
	s10 =	sld [smem:$0x3FB6];
	_ =	sdelay $0x3  }
0x37: {  	[smem:$0x3FB6] =	sst s10  }
0x38: {  	s10 =	sld [smem:$0x3FB7]  }
0x39: {  	_ = 	snop;
	(pc) =	sbr.ind lr, $3  }
0x3a: {  	_ = 	snop  }
0x3b: {  	_ = 	snop  }
0x3c: {  	p2 =	seq.s32 s10, $0x1;
	s10 =	sld [smem:$0x3FB6]  }
0x3d: {  	_ =	shalt  }
0x3e: {  	_ =	shalt  }
0x3f: {  	_ =	shalt  }
0x40: {  	_ =	shalt  }
0x41: {  	_ =	shalt  }
0x42: {  	_ =	shalt  }
0x43: {  	_ =	shalt  }
0x44: {  	_ =	shalt  }
0x45: {  	_ =	shalt  }
0x46: {  	_ =	shalt  }
0x47: {  	_ =	shalt  }
0x48: {  	_ =	shalt  }
0x49: {  	_ =	shalt  }
0x4a: {  	_ =	shalt  }
0x4b: {  	_ =	shalt  }
0x4c: {  	_ =	shalt  }
0x4d: {  	_ =	shalt  }
0x4e: {  	_ =	shalt  }
0x4f: {  	_ =	shalt  }
0x50: {  	_ =	shalt  }
0x51: {  	_ =	shalt  }
0x52: {  	_ =	shalt  }
0x53: {  	_ =	shalt  }
0x54: {  	_ =	shalt  }
0x55: {  	_ =	shalt  }
0x56: {  	_ =	shalt  }
0x57: {  	_ =	shalt  }
0x58: {  	_ =	shalt  }
0x59: {  	_ =	shalt  }
0x5a: {  	_ =	shalt  }
0x5b: {  	_ =	shalt  }
0x5c: {  	_ =	shalt  }
0x5d: {  	_ =	shalt  }
0x5e: {  	_ =	shalt  }
0x5f: {  	_ =	shalt  }
0x60: {  	_ =	shalt  }
0x61: {  	_ =	shalt  }
0x62: {  	_ =	shalt  }
0x63: {  	_ =	shalt  }
0x64: {  	_ =	shalt  }
0x65: {  	_ =	shalt  }
0x66: {  	_ =	shalt  }
0x67: {  	_ =	shalt  }
0x68: {  	_ =	shalt  }
0x69: {  	_ =	shalt  }
0x6a: {  	_ =	shalt  }
0x6b: {  	_ =	shalt  }
0x6c: {  	_ =	shalt  }
0x6d: {  	_ =	shalt  }
0x6e: {  	_ =	shalt  }
0x6f: {  	_ =	shalt  }
0x70: {  	_ =	shalt  }
0x71: {  	_ =	shalt  }
0x72: {  	_ =	shalt  }
0x73: {  	_ =	shalt  }
0x74: {  	_ =	shalt  }
0x75: {  	_ =	shalt  }
0x76: {  	_ =	shalt  }
0x77: {  	_ =	shalt  }
0x78: {  	_ =	shalt  }
0x79: {  	_ =	shalt  }
0x7a: {  	_ =	shalt  }
0x7b: {  	_ =	shalt  }
0x7c: {  	_ =	shalt  }
0x7d: {  	_ =	shalt  }
0x7e: {  	_ =	shalt  }
0x7f: {  	_ =	shalt  }
0x80: {  	_ =	shalt  }
0x81: {  	_ =	shalt  }
0x82: {  	_ =	shalt  }
0x83: {  	_ =	shalt  }
0x84: {  	_ =	shalt  }
0x85: {  	_ =	shalt  }
0x86: {  	_ =	shalt  }
0x87: {  	_ =	shalt  }
.Lfunc_end0:
.L_simem_size_0:
called_computation_lowered:
.L_overlay_start_0:
0x88: {  	s2 =	sld [smem:$0x3FD9]  }
0x89: {  	s3 =	sld [smem:$0x3FFE];
	_ =	sdelay $0x1  }
0x8a: {  	s1 =	srdreg.scid  }
0x8b: {  	s0 =	sand.u32 $0x1, s1  }
0x8c: {  	s17 =	sshll.u32 s0, $0xA;
	s2 =	sadd.s32 s3, s2  }
0x8d: {  	s2 =	sadd.s32 s2, s17  }
0x8e: {  	[smem:$0x3FC2] =	sst s2  }
0x8f: {  	_ = 	snop  }
0x90: {  	s2 =	sld [smem:$0x3FD0];
	(tm) =	ssettm $0x1  }
0x91: {  	s18 =	sld [smem:$0x3FFB];
	_ =	sdelay $0x3  }
0x92: {  	_ =	strace s18  }
0x93: {  	s3 =	sld [smem:$0x3FFC];
	_ =	sdelay $0x3  }
0x94: {  	_ =	strace s3  }
0x95: {  	s3 =	sld [smem:$0x3FFD];
	_ =	sdelay $0x3  }
0x96: {  	_ =	strace s3  }
0x97: {  	_ =	strace $0x8FFFFFFF  }
0x98: {  	s19 =	sld [smem:$0x3FDB];
	_ =	sdelay $0x1  }
0x99: {  	s4 =	simm.s32 $_scs_section_size  }
0x9a: {  	s5 =	simm.s32 $_size__tile_overlayer_lowered;
	s6 =	simm.s32 $_tile_overlayer_lowered  }
0x9b: {  	s22 =	simm.s32 $0x1BFF;
	s21 =	sshll.u32 s6, $0x1;
	s3 =	sadd.s32 s4, s19  }
0x9c: {  	s7 =	simm.s32 $0x0;
	s20 =	sshll.u32 s5, $0x1;
	s5 =	sadd.s32 s21, s3  }
0x9d: {  	[timem:s7], [sflag:s22] =	dma.local [hbm:s5], s20  }
0x9e: {  	_ =	swait.ge [sflag:s22], s20  }
0x9f: {  	s4 =	ssub.s32 $0x0, s20;
	[sflag:s22] =	ssyncset.done $0x0  }
0xa0: {  	[sflag:s22] =	ssyncadd.s32 s4;
	_ =	sdelay $0x1  }
0xa1: {  	s23 =	simm.s32 $0x1B8B  }
0xa2: {  	_ =	swait.ge [sflag:s23], $0x1  }
0xa3: {  	[sflag:s23] =	ssyncset.done $0x0  }
0xa4: {  	s25 =	simm.s32 $0x1B8E;
	s24 =	sld [smem:$0x3FFE];
	[sflag:s23] =	ssyncadd.s32 $0xFFFFFFFF  }
0xa5: {  	s26 =	simm.s32 $execute0_lowered;
	[smem:$0x3FD2] =	sst s25  }
0xa6: {  	s5 =	sshll.u32 s26, $0x1;
	_ =	strace $0x80000046;
	[dreg:$0x1] =	wrdreg $0xFFFFFFFF  }
0xa7: {  	s28 =	simm.s32 $_size_execute0_lowered;
	s3 =	sadd.s32 s3, s5;
	[dreg:$0x0] =	wrdreg $0x0  }
0xa8: {  	s5 =	sshll.u32 s28, $0x1;
	[dreg:$0x2] =	wrdreg s3  }
0xa9: {  	[dreg:$0x3] =	wrdreg s5  }
0xaa: {  	[dreg:$0x4] =	wrdreg $0xC0  }
0xab: {  	_ =	task [dreg:s7], $0x5FFFF  }
0xac: {  	[dreg:$0x1] =	wrdreg $0xFFFFFFFF  }
0xad: {  	[dreg:$0x0] =	wrdreg $0x60  }
0xae: {  	[dreg:$0x2] =	wrdreg s2  }
0xaf: {  	[dreg:$0x3] =	wrdreg s24  }
0xb0: {  	[dreg:$0x4] =	wrdreg $0x2B000  }
0xb1: {  	[dreg:$0x5] =	wrdreg $0x9  }
0xb2: {  	_ =	task.clear_ibuf [dreg:s7], $0x6FFFF;
	_ =	strace $0x90000046  }
0xb3: {  	s29 =	simm.s32 $0x9;
	_ =	strace $0x80000048  }
0xb4: {  	_ =	swait.ge [sflag:s29], $0x1  }
0xb5: {  	[sflag:s29] =	ssyncadd.s32 $0xFFFFFFFF  }
0xb6: {  	_ =	strace $0x90000048  }
0xb7: {  	_ =	sfence  }
0xb8: {  	s30 =	sld [smem:$0x0];
	_ =	sdelay $0x2  }
0xb9: {  	s31 =	sshll.u32 s1, $0xD;
	s1 =	sshrl.u32 s1, $0x2  }
0xba: {  	s3 =	sand.u32 $0x4000, s31;
	s1 =	sadd.s32 s1, s30  }
0xbb: {  	s0 =	sor.u32 s3, s0;
	s1 =	sshll.u32 s1, $0x11  }
0xbc: {  	s0 =	sor.u32 s1, s0  }
0xbd: {  	s0 =	sadd.s32 $0x8F2B, s0  }
0xbe: {  	[sflag:s0] =	ssyncadd.remote.s32 $0x1  }
0xbf: {  	_ =	sfence.sel $0xFFFF  }
0xc0: {  	[dreg:$0x0] =	wrdreg $0xFFFFFFFF;
	(pc) =	sbr.abs _section_cstart, $3  }
0xc1: {  	[dreg:$0x1] =	wrdreg $0xFFFFFFFF  }
0xc2: {  	_ =	task.clear_ibuf [dreg:s7], $0x2FFFF;
	_ =	strace $0x9FFFFFFF  }
0xc3: {  	(tm) =	ssettm $0x7FFFFFFF  }
tec
execute0_lowered:
.L_overlay_start_1:
0x0: {  	(tag) =	ssettag $0x1  }
0x1: {  	s5 =	rddreg [dreg:$0x0]  }
0x2: {  	s4 =	rddreg [dreg:$0x1]  }
0x3: {  	s2 =	rddreg [dreg:$0x2]  }
0x4: {  	s0 =	rddreg [dreg:$0x3]  }
0x5: {  	s3 =	simm.s32 $0x0;
	s6 =	srdreg.scid;
	s1 =	stileid.u32  }
0x6: {  	s11 =	simm.s32 $0x2800;
	s14 =	simm.s32 $0x20;
	s15 =	simm.s32 $0x10  }
0x7: {  	s16 =	simm.s32 $0x0;
	[smem:$0x7FF] =	sst s3;
	s7 =	smul.u32 $0x500, s1  }
0x8: {  	s6 =	sand.u32 $0x1, s6;
	s30 =	smul.u32 $0xA00, s1;
	s12 =	sshll.u32 s1, $0x6  }
0x9: {  	_ =	strace $0x80000047;
	s8 =	sshll.u32 s6, $0x7;
	s9 =	sshll.u32 s6, $0x4  }
0xa: {  	s6 =	ssub.s32 $0x2, s6;
	s12 =	sor.u32 $0x1C01, s12;
	s7 =	sor.u32 s8, s7  }
0xb: {  	s29 =	sor.u32 s1, s9;
	s31 =	sshrl.u32 s6, $0x1;
	s9 =	sshrl.u32 s30, $0x2  }
0xc: {  	s7 =	sshrl.u32 s7, $0x3;
	s8 =	smul.u32 $0x500, s29;
	s10 =	ssub.s32 s6, s31  }
0xd: {  	s7 =	sadd.s32 s7, s4;
	s4 =	sadd.s32 s9, s2;
	s9 =	simm.s32 $0x1  }
0xe: {  	s5 =	sadd.s32 s5, s8;
	s6 =	sadd.s32 $0x1E00, s7;
	s7 =	smax.u32 s10, $0x1  }
0xf: {  	v0 =	vimm.f32 $0.0e+00;
	v1 =	vimm.f32 $1.000000000e+00;
	s8 =	simm.s32 $0x2880;
	s10 =	simm.s32 $0x80;
	s13 =	sshrl.u32 s4, $0x3  }
.LBB2_1:
0x10: {  	[tilespmem:$0x2880] =	vst v0  }
0x11: {  	[tilespmem:$0x2890] =	vst v0  }
0x12: {  	[tilespmem:$0x28A0] =	vst v0  }
0x13: {  	[tilespmem:$0x28B0] =	vst v0  }
0x14: {  	[tilespmem:$0x28C0] =	vst v0  }
0x15: {  	[tilespmem:$0x28D0] =	vst v0  }
0x16: {  	[tilespmem:$0x28E0] =	vst v0  }
0x17: {  	[tilespmem:$0x28F0] =	vst v0  }
0x18: {  	[tilespmem:$0x2900] =	vst v0  }
0x19: {  	[tilespmem:$0x2910] =	vst v0  }
0x1a: {  	[tilespmem:$0x2920] =	vst v0  }
0x1b: {  	[tilespmem:$0x2930] =	vst v0  }
0x1c: {  	[tilespmem:$0x2940] =	vst v0  }
0x1d: {  	[tilespmem:$0x2950] =	vst v0  }
0x1e: {  	[tilespmem:$0x2960] =	vst v0  }
0x1f: {  	[tilespmem:$0x2970] =	vst v0  }
0x20: {  	[tilespmem:$0x2980] =	vst v0  }
0x21: {  	[tilespmem:$0x2990] =	vst v0  }
0x22: {  	[tilespmem:$0x29A0] =	vst v0  }
0x23: {  	[tilespmem:$0x29B0] =	vst v0  }
0x24: {  	[tilespmem:$0x29C0] =	vst v0  }
0x25: {  	[tilespmem:$0x29D0] =	vst v0  }
0x26: {  	[tilespmem:$0x29E0] =	vst v0  }
0x27: {  	[tilespmem:$0x29F0] =	vst v0  }
0x28: {  	[tilespmem:$0x2A00] =	vst v0  }
0x29: {  	[tilespmem:$0x2A10] =	vst v0  }
0x2a: {  	[tilespmem:$0x2A20] =	vst v0  }
0x2b: {  	[tilespmem:$0x2A30] =	vst v0  }
0x2c: {  	[tilespmem:$0x2A40] =	vst v0  }
0x2d: {  	[tilespmem:$0x2A50] =	vst v0  }
0x2e: {  	[tilespmem:$0x2A60] =	vst v0  }
0x2f: {  	[tilespmem:$0x2A70] =	vst v0  }
0x30: {  	[tilespmem:$0x2A80] =	vst v0  }
0x31: {  	[tilespmem:$0x2A90] =	vst v0  }
0x32: {  	[tilespmem:$0x2AA0] =	vst v0  }
0x33: {  	[tilespmem:$0x2AB0] =	vst v0  }
0x34: {  	[tilespmem:$0x2AC0] =	vst v0  }
0x35: {  	[tilespmem:$0x2AD0] =	vst v0  }
0x36: {  	[tilespmem:$0x2AE0] =	vst v0  }
0x37: {  	[tilespmem:$0x2AF0] =	vst v0  }
0x38: {  	[tilespmem:$0x2800] =	vst v1  }
0x39: {  	[tilespmem:$0x2810] =	vst v1  }
0x3a: {  	[tilespmem:$0x2820] =	vst v1  }
0x3b: {  	[tilespmem:$0x2830] =	vst v1  }
0x3c: {  	[tilespmem:$0x2840] =	vst v1  }
0x3d: {  	[tilespmem:$0x2850] =	vst v1  }
0x3e: {  	[tilespmem:$0x2860] =	vst v1  }
0x3f: {  	[tilespmem:$0x2870] =	vst v1  }
0x40: {  	[spmem:s4] =	stream.linear.scatter [tilespmem:s8], [sflag:$0x1], $0x280, $0x38;
	[tilespmem:$0x2D80] =	vst v63  }
0x41: {  	_ =	swait.ge [sflag:s9], $0x280  }
0x42: {  	[sflag:s9] =	ssyncset.done $0x0  }
0x43: {  	[sflag:s9] =	ssyncadd.s32 $0xFFFFFD80  }
0x44: {  	[tilespmem:s3], [sflag:$0x1] =	stream.linear.gather [hbm4b:s5+s3], $0x2800, $0x38;
	[tilespmem:$0x2D80] =	vst v63  }
0x45: {  	_ =	swait.ge [sflag:s9], $0x2800  }
0x46: {  	[sflag:s9] =	ssyncset.done $0x0  }
0x47: {  	[sflag:s9] =	ssyncadd.s32 $0xFFFFD800  }
0x48: {  	s17 =	simm.s32 $0x0;
	[bflag:$0x0] =	sbarrier.arrive $0xFFFF  }
0x49: {  	[spmem:s2] =	stream.indirect.scatter.add.f32 [tilespmem:s11], [sflag:$0x1], $0x1, s17, s10, $0xb8;
	[tilespmem:$0x2D80] =	vst v63  }
0x4a: {  	_ =	swait.ge [sflag:s9], $0x80  }
0x4b: {  	s17 =	simm.s32 $0x200;
	[sflag:s9] =	ssyncset.done $0x0  }
.LBB2_2:
0x4c: {  	s18 =	sshra.s32 s17, $0x2;
	[sflag:s9] =	ssyncadd.s32 $0xFFFFFF80;
	p0 =	sne.s32 s17, $0x9E00  }
0x4d: {  	[spmem:s2] =	stream.indirect.scatter.add.f32 [tilespmem:s11], [sflag:$0x1], $0x1, s18, s10, $0xb8;
	[tilespmem:$0x2D80] =	vst v63  }
.Ltmp0:
0x4e: {  	_ = 	snop;
	(pc) =	sbr.rel @p0 .LBB2_2-.Ltmp0, $4  }
0x4f: {  	_ = 	snop  }
0x50: {  	s17 =	sadd.s32 $0x200, s17  }
0x51: {  	_ =	swait.ge [sflag:s9], $0x80  }
0x52: {  	[sflag:s9] =	ssyncset.done $0x0  }
0x53: {  	s16 =	sadd.s32 $0x1, s16  }
0x54: {  	[sflag:s9] =	ssyncadd.s32 $0xFFFFFF80;
	p0 =	sne.s32 s16, s7  }
.Ltmp1:
0x55: {  	[bflag:$0x0] =	sbarrier.arrive $0xFFFF;
	(pc) =	sbr.rel @p0 .LBB2_1-.Ltmp1, $4  }
0x56: {  	[hbm:s6@s14], [sflag:s12] =	dma.strided [spmem:s13@s15], $0x50, s9, $0x10   }
0x57: {  	_ =	swait.ge [sflag:s9], $0x50  }
0x58: {  	[sflag:s9] =	ssyncset.done $0x0  }
0x59: {  	[sflag:s9] =	ssyncadd.s32 $0xFFFFFFB0  }
0x5a: {  	_ =	sfence.sel $0x180000  }
0x5b: {  	[bflag:$0x0] =	sbarrier.arrive $0xFFFF  }
0x5c: {  	p0 =	sne.s32 s1, $0x0;
	_ =	strace $0x90000047  }
0x5d: {  	s0 =	sadd.s32 @!p0 $0x100000, s0;
	[bflag:$0x2] =	sbarrier.arrive $0xFFFF  }
0x5e: {  	[sflag:s0] =	ssyncadd.tile.s32 @!p0 $0x1;
	_ =	shalt  }
.Lfunc_end2:
_tile_overlayer_lowered:
.L_overlay_start_2:
0x5f: {  	(tag) =	ssettag $0x2  }
0x60: {  	s0 =	rddreg [dreg:$0x0];
	s2 =	stileid.u32  }
0x61: {  	s1 =	rddreg [dreg:$0x1];
	p0 =	sne.s32 s2, $0x0  }
0x62: {  	s3 =	rddreg [dreg:$0x2];
	[bflag:$0x3] =	sbarrier.arrive $0xFFFF;
	s2 =	simm.s32 @!p0 $0x1C01  }
0x63: {  	[timem:s3], [sflag:s2] =	dma.local @!p0 [hbm:s0], s1  }
0x64: {  	s0 =	simm.s32 @!p0 $0x1  }
0x65: {  	_ =	swait.ge @!p0 [sflag:s0], s1  }
0x66: {  	s1 =	ssub.s32 @!p0 $0x0, s1;
	[sflag:s0] =	ssyncset.done @!p0 $0x0  }
0x67: {  	[sflag:s0] =	ssyncadd.s32 @!p0 s1  }
0x68: {  	[bflag:$0x3] =	sbarrier.arrive $0xFFFF  }
0x69: {  	_ =	shalt  }

</sc_bundles>
